<compile_context>
chip_gen: v7x
topology: tpu7x:2x2x1
jax: 0.10.2.dev20260603
libtpu: 0.0.44.dev20260713+nightly
codegen_flags: <defaults>
</compile_context>

<pallas_src>
import functools

import jax
import jax.numpy as jnp
from jax import lax
from jax.experimental import pallas as pl
from jax.experimental.pallas import tpu as pltpu
from jax.experimental.pallas import tpu_sc as plsc

N = 10000
E = 160000
F_NODE = 128
F_EDGE = 16
D = 16
DE = 32

NC = 2
NS = 16
NW = NC * NS
CHUNK = 128
CH = 40
PW = CH * CHUNK
E_PAD = NW * PW
N_PAD = N + 16
RPT = N_PAD // NS

_MESH = dict(core_axis_name="c", subcore_axis_name="s")


NR = N // 8
NR_PAD = N_PAD // 8


def _fold_sum16(s):
    s = s[:, :64] + s[:, 64:]
    s = s[:, :32] + s[:, 32:]
    return s[:, :16] + s[:, 16:]


def _tile8(v):
    return jnp.concatenate([v] * 8, axis=1)


def _row_mask(nrows):
    rows = lax.broadcasted_iota(jnp.int32, (NR_PAD, 128), 0)
    return rows < nrows


def _node_body(x_ref, w_ref, b_ref, g_ref, bb_ref, out_ref):
    h = jnp.dot(x_ref[...], w_ref[...], preferred_element_type=jnp.float32)
    h = jnp.maximum(h + b_ref[...], 0.0)
    mask = _row_mask(NR)
    hm = jnp.where(mask, h, 0.0)
    m = _tile8(_fold_sum16(jnp.sum(hm, axis=0, keepdims=True)) / N)
    d2 = jnp.where(mask, (h - m) ** 2, 0.0)
    v = _tile8(_fold_sum16(jnp.sum(d2, axis=0, keepdims=True)) / N)
    hb = g_ref[...] * (h - m) * lax.rsqrt(v + 1e-5) + bb_ref[...]
    out_ref[...] = jnp.where(mask, hb, 0.0)


def _node_embed(x_pack, bd_wn, b8, g8, bb8):
    return pl.pallas_call(
        _node_body,
        out_shape=jax.ShapeDtypeStruct((NR_PAD, 128), jnp.float32),
    )(x_pack, bd_wn, b8, g8, bb8)


_ER = E // 8
_EB = 2000


def _stats_body(ea_ref, w_ref, b_ref, out_ref):
    i = pl.program_id(0)
    e = jnp.dot(ea_ref[...], w_ref[...], preferred_element_type=jnp.float32)
    e = jnp.maximum(e + b_ref[...], 0.0)
    s1 = jnp.sum(e, axis=0, keepdims=True)
    s2 = jnp.sum(e * e, axis=0, keepdims=True)
    blk = jnp.concatenate([s1, s2, jnp.zeros((6, 8 * DE), jnp.float32)],
                          axis=0)

    @pl.when(i == 0)
    def _():
        out_ref[...] = blk

    @pl.when(i > 0)
    def _():
        out_ref[...] = out_ref[...] + blk


def _edge_stats(ea_pack, bd_we, be8):
    return pl.pallas_call(
        _stats_body,
        grid=(_ER // _EB,),
        in_specs=[
            pl.BlockSpec((_EB, 8 * F_EDGE), lambda i: (i, 0)),
            pl.BlockSpec((8 * F_EDGE, 8 * DE), lambda i: (0, 0)),
            pl.BlockSpec((1, 8 * DE), lambda i: (0, 0)),
        ],
        out_specs=pl.BlockSpec((8, 8 * DE), lambda i: (0, 0)),
        out_shape=jax.ShapeDtypeStruct((8, 8 * DE), jnp.float32),
    )(ea_pack, bd_we, be8)


def _gather_body(h_hbm, src_hbm, xs_hbm, idx_v, rows_v, tab_sh, sem):
    c = lax.axis_index("c")
    s = lax.axis_index("s")
    w = c * NS + s
    sl = pl.ds(s * RPT, RPT)
    pltpu.sync_copy(h_hbm.at[sl], tab_sh.at[sl])
    pltpu.sync_copy(src_hbm.at[0, pl.ds(w * CH, CH)], idx_v)
    plsc.subcore_barrier()

    def fire(j, _):
        pltpu.async_copy(
            tab_sh.at[idx_v.at[j]], rows_v.at[pl.ds(j * CHUNK, CHUNK)], sem
        )
        return 0

    lax.fori_loop(0, CH, fire, 0)
    pltpu.make_async_copy(h_hbm.at[pl.ds(0, PW)], rows_v, sem).wait()
    pltpu.sync_copy(rows_v, xs_hbm.at[pl.ds(w * PW, PW)])


def _sc_gather(h, ei2):
    f = pl.kernel(
        _gather_body,
        out_type=jax.ShapeDtypeStruct((E_PAD, D), jnp.float32),
        mesh=plsc.VectorSubcoreMesh(**_MESH),
        compiler_params=pltpu.CompilerParams(use_tc_tiling_on_sc=False),
        scratch_types=[
            pltpu.VMEM((CH, CHUNK), jnp.int32),
            pltpu.VMEM((PW, D), jnp.float32),
            pltpu.VMEM_SHARED((N_PAD, D), jnp.float32),
            pltpu.SemaphoreType.DMA,
        ],
    )
    return f(h, ei2)


def _scatter_body(with_cnt, msg_hbm, dst_hbm, s_out, c_out, dst_v, msg_v,
                  ones_v, zero_v, acc_sh, cnt_sh, sem, sem_m, sem_c):
    c = lax.axis_index("c")
    s = lax.axis_index("s")
    w = c * NS + s

    def zrow(i, _):
        zero_v[i] = jnp.zeros((D,), jnp.float32)
        return 0

    lax.fori_loop(0, RPT, zrow, 0)
    if with_cnt:
        def orow(i, _):
            ones_v[i] = jnp.ones((D,), jnp.float32)
            return 0

        lax.fori_loop(0, CHUNK, orow, 0)

    pltpu.sync_copy(zero_v, acc_sh.at[pl.ds(s * RPT, RPT)])
    if with_cnt:
        pltpu.sync_copy(zero_v, cnt_sh.at[pl.ds(s * RPT, RPT)])
    pltpu.sync_copy(dst_hbm.at[1, pl.ds(w * CH, CH)], dst_v)
    pltpu.async_copy(msg_hbm.at[pl.ds(w * PW, PW)], msg_v, sem).wait()
    plsc.subcore_barrier()

    def chunk(j, _):
        pltpu.async_copy(
            msg_v.at[pl.ds(j * CHUNK, CHUNK)], acc_sh.at[dst_v.at[j]], sem_m,
            add=True)
        if with_cnt:
            pltpu.async_copy(ones_v, cnt_sh.at[dst_v.at[j]], sem_c, add=True)
        return 0

    lax.fori_loop(0, CH, chunk, 0)
    pltpu.make_async_copy(msg_hbm.at[pl.ds(0, PW)], msg_v, sem_m).wait()
    if with_cnt:
        pltpu.make_async_copy(msg_hbm.at[pl.ds(0, PW)], msg_v, sem_c).wait()
    plsc.subcore_barrier()
    sl = pl.ds(s * RPT, RPT)
    pltpu.sync_copy(acc_sh.at[sl], s_out.at[c, sl])
    if with_cnt:
        pltpu.sync_copy(cnt_sh.at[sl], c_out.at[c, sl])


def _scatter_nocnt(msg_hbm, dst_hbm, s_out, dst_v, msg_v, ones_v, zero_v,
                   acc_sh, cnt_sh, sem, sem_m, sem_c):
    _scatter_body(False, msg_hbm, dst_hbm, s_out, None, dst_v, msg_v,
                  ones_v, zero_v, acc_sh, cnt_sh, sem, sem_m, sem_c)


def _sc_scatter(msg, ei2, with_cnt):
    if with_cnt:
        body = functools.partial(_scatter_body, True)
        out_type = (jax.ShapeDtypeStruct((NC, N_PAD, D), jnp.float32),
                    jax.ShapeDtypeStruct((NC, N_PAD, D), jnp.float32))
    else:
        body = _scatter_nocnt
        out_type = jax.ShapeDtypeStruct((NC, N_PAD, D), jnp.float32)
    f = pl.kernel(
        body,
        out_type=out_type,
        mesh=plsc.VectorSubcoreMesh(**_MESH),
        compiler_params=pltpu.CompilerParams(use_tc_tiling_on_sc=False),
        scratch_types=[
            pltpu.VMEM((CH, CHUNK), jnp.int32),
            pltpu.VMEM((PW, D), jnp.float32),
            pltpu.VMEM((CHUNK, D), jnp.float32),
            pltpu.VMEM((RPT, D), jnp.float32),
            pltpu.VMEM_SHARED((N_PAD, D), jnp.float32),
            pltpu.VMEM_SHARED((N_PAD, D), jnp.float32),
            pltpu.SemaphoreType.DMA,
            pltpu.SemaphoreType.DMA,
            pltpu.SemaphoreType.DMA,
        ],
    )
    return f(msg, ei2)


_MR = 1024


def _msg_body(act, ea_ref, xs_ref, we_ref, be_ref, nw_ref, nb_ref, r_ref,
              out_ref):
    e = jnp.dot(ea_ref[...], we_ref[...], preferred_element_type=jnp.float32)
    e = jnp.maximum(e + be_ref[...], 0.0)
    pre = jnp.dot(e.astype(jnp.bfloat16), nw_ref[...],
                  preferred_element_type=jnp.float32)
    w = act(pre + nb_ref[...])
    xsb = jnp.dot(xs_ref[...].astype(jnp.bfloat16), r_ref[...],
                  preferred_element_type=jnp.float32)
    q = w * xsb
    q = q[:, :1024] + q[:, 1024:]
    q = q[:, :512] + q[:, 512:]
    q = q[:, :256] + q[:, 256:]
    out_ref[...] = q[:, :128] + q[:, 128:]


def _messages(ea_pack, xs_pack, bd_we, be8, bd_nn, nb8, r2, act):
    return pl.pallas_call(
        functools.partial(_msg_body, act),
        grid=(E_PAD // 8 // _MR,),
        in_specs=[
            pl.BlockSpec((_MR, 8 * F_EDGE), lambda i: (i, 0)),
            pl.BlockSpec((_MR, 8 * D), lambda i: (i, 0)),
            pl.BlockSpec((8 * F_EDGE, 8 * DE), lambda i: (0, 0)),
            pl.BlockSpec((1, 8 * DE), lambda i: (0, 0)),
            pl.BlockSpec((8 * DE, 8 * D * D), lambda i: (0, 0)),
            pl.BlockSpec((1, 8 * D * D), lambda i: (0, 0)),
            pl.BlockSpec((8 * D, 8 * D * D), lambda i: (0, 0)),
        ],
        out_specs=pl.BlockSpec((_MR, 8 * D), lambda i: (i, 0)),
        out_shape=jax.ShapeDtypeStruct((E_PAD // 8, 8 * D), jnp.float32),
    )(ea_pack, xs_pack, bd_we, be8, bd_nn, nb8, r2)


def _upd_body(final, sp_ref, cp_ref, h_ref, lw_ref, bias_ref, g_ref, b_ref,
              out_ref):
    seg = sp_ref[0] + sp_ref[1]
    cnt = cp_ref[0] + cp_ref[1]
    mean = seg / jnp.maximum(cnt, 1.0)
    root = jnp.dot(h_ref[...], lw_ref[...], preferred_element_type=jnp.float32)
    o = mean + root + bias_ref[...]
    mask = _row_mask(NR)
    om = jnp.where(mask, o, 0.0)
    m = _tile8(_fold_sum16(jnp.sum(om, axis=0, keepdims=True)) / N)
    d2 = jnp.where(mask, (o - m) ** 2, 0.0)
    v = _tile8(_fold_sum16(jnp.sum(d2, axis=0, keepdims=True)) / N)
    hb = g_ref[...] * (o - m) * lax.rsqrt(v + 1e-5) + b_ref[...]
    hb = jnp.where(mask, hb, 0.0)
    if final:
        mp = _fold_sum16(jnp.sum(hb, axis=0, keepdims=True)) / N
        xpc = jnp.max(jnp.where(mask, hb, -jnp.inf), axis=0, keepdims=True)
        xpc = jnp.maximum(xpc[:, :64], xpc[:, 64:])
        xpc = jnp.maximum(xpc[:, :32], xpc[:, 32:])
        xp = jnp.maximum(xpc[:, :16], xpc[:, 16:])
        out_ref[...] = jnp.concatenate([mp, xp], axis=1)
    else:
        out_ref[...] = hb


def _update(sp, cp, h, lw, bias, g, b, final):
    out_shape = (jax.ShapeDtypeStruct((1, 2 * D), jnp.float32) if final
                 else jax.ShapeDtypeStruct((NR_PAD, 128), jnp.float32))
    return pl.pallas_call(
        functools.partial(_upd_body, final),
        out_shape=out_shape,
    )(sp, cp, h, lw, bias, g, b)


def kernel(x, edge_index, edge_attr,
           node_emb_W, node_emb_b, node_bn_g, node_bn_b,
           edge_emb_W, edge_emb_b, edge_bn_g, edge_bn_b,
           nn1_W, nn1_b, lin1_W, bias1, bn1_g, bn1_b,
           nn2_W, nn2_b, lin2_W, bias2, bn2_g, bn2_b):
    pad = E_PAD - E
    ei2 = jnp.pad(edge_index, ((0, 0), (0, pad)),
                  constant_values=N).reshape(2, NW * CH, CHUNK)
    ea_pack = jnp.pad(edge_attr.reshape(E // 8, 128),
                      ((0, (E_PAD - E) // 8), (0, 0)))
    x_pack = jnp.pad(x.reshape(NR, 8 * F_NODE), ((0, NR_PAD - NR), (0, 0)))

    row = lambda a: a.reshape(1, -1)
    t8 = lambda a: row(jnp.tile(a, 8))
    eye8 = jnp.eye(8, dtype=jnp.float32)
    bd_we = jnp.kron(eye8, edge_emb_W)
    be8 = t8(edge_emb_b)
    bd_wn = jnp.kron(eye8, node_emb_W)
    bd_l1 = jnp.kron(eye8, lin1_W)
    bd_l2 = jnp.kron(eye8, lin2_W)

    h0 = _node_embed(x_pack, bd_wn, t8(node_emb_b), t8(node_bn_g),
                     t8(node_bn_b))

    st = _edge_stats(ea_pack, bd_we, be8)
    m_e = jnp.sum(st[0].reshape(8, DE), axis=0) / E
    v_e = jnp.sum(st[1].reshape(8, DE), axis=0) / E - m_e * m_e
    s_e = edge_bn_g * lax.rsqrt(v_e + 1e-5)
    t_e = edge_bn_b - m_e * s_e
    nw1 = s_e[:, None] * nn1_W
    nw2 = s_e[:, None] * nn2_W

    def imaj_w(nw):
        nw3 = nw.reshape(DE, D, D)
        m = jnp.einsum('st,kio->skito', eye8, nw3)
        return m.reshape(8 * DE, 8 * D * D).astype(jnp.bfloat16)

    def imaj_b(nb):
        return jnp.broadcast_to(nb.reshape(D, 1, D),
                                (D, 8, D)).reshape(1, 8 * D * D)

    bd_nn1 = imaj_w(nw1)
    bd_nn2 = imaj_w(nw2)
    nb1 = imaj_b(nn1_b + t_e @ nn1_W)
    nb2 = imaj_b(nn2_b + t_e @ nn2_W)
    e16 = jnp.eye(D, dtype=jnp.float32)
    r2 = (eye8[:, None, None, :, None] * e16[None, :, :, None, None] *
          jnp.ones((1, 1, 1, 1, D))).reshape(8 * D, 8 * D * D)
    r2 = r2.astype(jnp.bfloat16)

    xs1 = _sc_gather(h0.reshape(N_PAD, D), ei2).reshape(E_PAD // 8, 128)
    msg1 = _messages(ea_pack, xs1, bd_we, be8, bd_nn1, nb1, r2, jnp.tanh)
    s1, cnt = _sc_scatter(msg1.reshape(E_PAD, D), ei2, with_cnt=True)
    s1 = s1.reshape(NC, NR_PAD, 128)
    cnt = cnt.reshape(NC, NR_PAD, 128)
    h1 = _update(s1, cnt, h0, bd_l1, t8(bias1), t8(bn1_g), t8(bn1_b),
                 final=False)

    xs2 = _sc_gather(h1.reshape(N_PAD, D), ei2).reshape(E_PAD // 8, 128)
    msg2 = _messages(ea_pack, xs2, bd_we, be8, bd_nn2, nb2, r2,
                     lambda p: jnp.maximum(p, 0.0))
    s2 = _sc_scatter(msg2.reshape(E_PAD, D), ei2, with_cnt=False)
    s2 = s2.reshape(NC, NR_PAD, 128)
    pooled = _update(s2, cnt, h1, bd_l2, t8(bias2), t8(bn2_g), t8(bn2_b),
                     final=True)
    return pooled

# --- scband reference (transcript-rebuilt; emitter-appended) ---
"""Pipeline reference for scband-single-gnn-70703751627452 (READ-ONLY COPY).

The authoritative reference and input builder live on the scoring server;
editing this copy changes nothing except your own understanding.
"""

import jax, jax.numpy as jnp
import numpy as np

N = 10000
E = 160000
F_NODE = 128
F_EDGE = 16
D = 16
DE = 32


def batchnorm(x, g, b):
    m = jnp.mean(x, axis=0)
    v = jnp.var(x, axis=0)
    return g * (x - m) / jnp.sqrt(v + 1e-5) + b


def nnconv(x, edge_index, edge_attr, nn_W, nn_b, act, lin_W, bias):
    # PyG NNConv: out_i = lin(x_i) + bias + mean_{j->i} x_j @ h(e_ji).view(D, D)
    src = edge_index[0]
    dst = edge_index[1]
    w = act(edge_attr @ nn_W + nn_b).reshape(-1, D, D)
    msg = jnp.einsum('ei,eio->eo', x[src], w)
    s = jax.ops.segment_sum(msg, dst, num_segments=N)
    cnt = jax.ops.segment_sum(jnp.ones(dst.shape[0], dtype=x.dtype), dst, num_segments=N)
    mean = s / jnp.maximum(cnt, 1.0)[:, None]
    return mean + x @ lin_W + bias


def setup_inputs(seed: int = 0) -> dict:
    key = jax.random.key(seed)
    ks = jax.random.split(key, 32)
    inp = {}
    inp['x'] = jax.random.normal(ks[0], (N, F_NODE), dtype=jnp.float32)
    inp['edge_index'] = jax.random.randint(ks[1], (2, E), 0, N, dtype=jnp.int32)
    inp['edge_attr'] = jax.random.normal(ks[2], (E, F_EDGE), dtype=jnp.float32)
    # node embedding Linear(128 -> 16)
    inp['node_emb_W'] = jax.random.normal(ks[3], (F_NODE, D), dtype=jnp.float32) / np.sqrt(F_NODE)
    inp['node_emb_b'] = jnp.zeros((D,), dtype=jnp.float32)
    inp['node_bn_g'] = jnp.ones((D,), dtype=jnp.float32)
    inp['node_bn_b'] = jnp.zeros((D,), dtype=jnp.float32)
    # edge embedding Linear(16 -> 32)
    inp['edge_emb_W'] = jax.random.normal(ks[4], (F_EDGE, DE), dtype=jnp.float32) / np.sqrt(F_EDGE)
    inp['edge_emb_b'] = jnp.zeros((DE,), dtype=jnp.float32)
    inp['edge_bn_g'] = jnp.ones((DE,), dtype=jnp.float32)
    inp['edge_bn_b'] = jnp.zeros((DE,), dtype=jnp.float32)
    # conv1 edge nn Linear(32 -> 256) + tanh, root Linear(16 -> 16), bias
    inp['nn1_W'] = jax.random.normal(ks[5], (DE, D * D), dtype=jnp.float32) / np.sqrt(DE)
    inp['nn1_b'] = jnp.zeros((D * D,), dtype=jnp.float32)
    inp['lin1_W'] = jax.random.normal(ks[6], (D, D), dtype=jnp.float32) / np.sqrt(D)
    inp['bias1'] = jnp.zeros((D,), dtype=jnp.float32)
    inp['bn1_g'] = jnp.ones((D,), dtype=jnp.float32)
    inp['bn1_b'] = jnp.zeros((D,), dtype=jnp.float32)
    # conv2 edge nn Linear(32 -> 256) + relu, root Linear(16 -> 16), bias
    inp['nn2_W'] = jax.random.normal(ks[7], (DE, D * D), dtype=jnp.float32) / np.sqrt(DE)
    inp['nn2_b'] = jnp.zeros((D * D,), dtype=jnp.float32)
    inp['lin2_W'] = jax.random.normal(ks[8], (D, D), dtype=jnp.float32) / np.sqrt(D)
    inp['bias2'] = jnp.zeros((D,), dtype=jnp.float32)
    inp['bn2_g'] = jnp.ones((D,), dtype=jnp.float32)
    inp['bn2_b'] = jnp.zeros((D,), dtype=jnp.float32)
    return inp


def reference(x, edge_index, edge_attr,
              node_emb_W, node_emb_b, node_bn_g, node_bn_b,
              edge_emb_W, edge_emb_b, edge_bn_g, edge_bn_b,
              nn1_W, nn1_b, lin1_W, bias1, bn1_g, bn1_b,
              nn2_W, nn2_b, lin2_W, bias2, bn2_g, bn2_b):
    h = jax.nn.relu(x @ node_emb_W + node_emb_b)
    h = batchnorm(h, node_bn_g, node_bn_b)
    e = jax.nn.relu(edge_attr @ edge_emb_W + edge_emb_b)
    e = batchnorm(e, edge_bn_g, edge_bn_b)
    h = nnconv(h, edge_index, e, nn1_W, nn1_b, jnp.tanh, lin1_W, bias1)
    h = batchnorm(h, bn1_g, bn1_b)
    h = nnconv(h, edge_index, e, nn2_W, nn2_b, jax.nn.relu, lin2_W, bias2)
    h = batchnorm(h, bn2_g, bn2_b)
    # single graph: batch vector is all zeros -> global mean/max pools
    pooled = jnp.concatenate([jnp.mean(h, axis=0, keepdims=True),
                              jnp.max(h, axis=0, keepdims=True)], axis=1)
    return pooled

if __name__ == "__main__":
    import jax
    _d = setup_inputs()
    print(jax.jit(kernel)(*tuple(_d.values())))

</pallas_src>

<mosaic_0001>
#map = affine_map<(d0, d1) -> (0, 0)>
#map1 = affine_map<(d0, d1) -> (0, 0, 0)>
module attributes {stable_mosaic.version = 14 : i64} {
  func.func @_gather_body(%arg0: i32, %arg1: i32, %arg2: memref<10016x16xf32, #tpu.memory_space<hbm>>, %arg3: memref<2x1280x128xi32, #tpu.memory_space<hbm>>, %arg4: memref<163840x16xf32, #tpu.memory_space<hbm>>, %arg5: memref<40x128xi32, #tpu.memory_space<vmem>>, %arg6: memref<5120x16xf32, #tpu.memory_space<vmem>>, %arg7: memref<10016x16xf32, #tpu.memory_space<vmem_shared>>, %arg8: memref<!tpu.dma_semaphore, #tpu.memory_space<semaphore_mem>>) attributes {dimension_semantics = [#tpu.dimension_semantics<core_parallel>, #tpu.dimension_semantics<subcore_parallel>], iteration_bounds = array<i64: 2, 16>, scalar_prefetch = 0 : i64, scratch_operands = 4 : i64, tpu.core_type = #tpu.core_type<sc_vector_subcore>, window_params = [{transform_indices = #map}, {transform_indices = #map1}, {transform_indices = #map}]} {
    %mul3A = arith.constant 16 : i32
    %mul3A_0 = arith.muli %arg0, %mul3A : i32
    %add3A = arith.addi %mul3A_0, %arg1 : i32
    %mul3A_1 = arith.constant 626 : i32
    %mul3A_2 = arith.muli %arg1, %mul3A_1 : i32
    "tpu.region"() ({
      %run_scoped3A_18 = tpu.sem_alloc : memref<!tpu.dma_semaphore, #tpu.memory_space<semaphore_mem>>
      %dma_start3A = arith.constant 0 : i32
      %dma_start3A_19 = tpu.memref_slice %arg7[%mul3A_2, %dma_start3A] : memref<10016x16xf32, #tpu.memory_space<vmem_shared>> -> memref<626x16xf32, #tpu.memory_space<vmem_shared>>
      %dma_start3A_20 = arith.constant 0 : i32
      %dma_start3A_21 = tpu.memref_slice %arg2[%mul3A_2, %dma_start3A_20] : memref<10016x16xf32, #tpu.memory_space<hbm>> -> memref<626x16xf32, #tpu.memory_space<hbm>>
      tpu.enqueue_dma source(%dma_start3A_21 : memref<626x16xf32, #tpu.memory_space<hbm>>) target(%dma_start3A_19 : memref<626x16xf32, #tpu.memory_space<vmem_shared>>) target_semaphore(%run_scoped3A_18 : memref<!tpu.dma_semaphore, #tpu.memory_space<semaphore_mem>>)
      %dma_wait3A_22 = arith.constant 0 : i32
      %dma_wait3A_23 = tpu.memref_slice %arg7[%mul3A_2, %dma_wait3A_22] : memref<10016x16xf32, #tpu.memory_space<vmem_shared>> -> memref<626x16xf32, #tpu.memory_space<vmem_shared>>
      %dma_wait3A_24 = arith.constant 0 : i32
      %dma_wait3A_25 = tpu.memref_slice %arg2[%mul3A_2, %dma_wait3A_24] : memref<10016x16xf32, #tpu.memory_space<hbm>> -> memref<626x16xf32, #tpu.memory_space<hbm>>
      tpu.wait_dma2 semaphore(%run_scoped3A_18 : memref<!tpu.dma_semaphore, #tpu.memory_space<semaphore_mem>>) src(%dma_wait3A_25 : memref<626x16xf32, #tpu.memory_space<hbm>>) dst(%dma_wait3A_23 : memref<626x16xf32, #tpu.memory_space<vmem_shared>>)
      tpu.yield
    }) : () -> ()
    %mul3A_3 = arith.constant 40 : i32
    %mul3A_4 = arith.muli %add3A, %mul3A_3 : i32
    %run_scoped3A = arith.constant 0 : i32
    "tpu.region"() ({
      %run_scoped3A_18 = tpu.sem_alloc : memref<!tpu.dma_semaphore, #tpu.memory_space<semaphore_mem>>
      %dma_start3A = arith.constant 0 : i32
      %dma_start3A_19 = tpu.memref_slice %arg3[%run_scoped3A, %mul3A_4, %dma_start3A] : memref<2x1280x128xi32, #tpu.memory_space<hbm>> -> memref<1x40x128xi32, #tpu.memory_space<hbm>>
      %dma_start3A_20 = tpu.memref_squeeze %dma_start3A_19 : memref<1x40x128xi32, #tpu.memory_space<hbm>> -> memref<40x128xi32, #tpu.memory_space<hbm>>
      %dma_start3A_21 = arith.constant 0 : i32
      %dma_start3A_22 = tpu.memref_slice %arg3[%run_scoped3A, %mul3A_4, %dma_start3A_21] : memref<2x1280x128xi32, #tpu.memory_space<hbm>> -> memref<1x40x128xi32, #tpu.memory_space<hbm>>
      %dma_start3A_23 = tpu.memref_squeeze %dma_start3A_22 : memref<1x40x128xi32, #tpu.memory_space<hbm>> -> memref<40x128xi32, #tpu.memory_space<hbm>>
      tpu.enqueue_dma source(%dma_start3A_23 : memref<40x128xi32, #tpu.memory_space<hbm>>) target(%arg5 : memref<40x128xi32, #tpu.memory_space<vmem>>) target_semaphore(%run_scoped3A_18 : memref<!tpu.dma_semaphore, #tpu.memory_space<semaphore_mem>>)
      %dma_wait3A_24 = arith.constant 0 : i32
      %dma_wait3A_25 = tpu.memref_slice %arg3[%run_scoped3A, %mul3A_4, %dma_wait3A_24] : memref<2x1280x128xi32, #tpu.memory_space<hbm>> -> memref<1x40x128xi32, #tpu.memory_space<hbm>>
      %dma_wait3A_26 = tpu.memref_squeeze %dma_wait3A_25 : memref<1x40x128xi32, #tpu.memory_space<hbm>> -> memref<40x128xi32, #tpu.memory_space<hbm>>
      %dma_wait3A_27 = arith.constant 0 : i32
      %dma_wait3A_28 = tpu.memref_slice %arg3[%run_scoped3A, %mul3A_4, %dma_wait3A_27] : memref<2x1280x128xi32, #tpu.memory_space<hbm>> -> memref<1x40x128xi32, #tpu.memory_space<hbm>>
      %dma_wait3A_29 = tpu.memref_squeeze %dma_wait3A_28 : memref<1x40x128xi32, #tpu.memory_space<hbm>> -> memref<40x128xi32, #tpu.memory_space<hbm>>
      tpu.wait_dma2 semaphore(%run_scoped3A_18 : memref<!tpu.dma_semaphore, #tpu.memory_space<semaphore_mem>>) src(%dma_wait3A_29 : memref<40x128xi32, #tpu.memory_space<hbm>>) dst(%arg5 : memref<40x128xi32, #tpu.memory_space<vmem>>)
      tpu.yield
    }) : () -> ()
    %barrier3A = arith.constant 0 : index
    tpu.barrier barrier_id(%barrier3A)
    %scan3A = arith.constant 0 : i32
    %scan3A_5 = arith.constant 0 : i32
    %scan3A_6 = arith.constant 40 : i32
    %scan3A_7 = arith.addi %scan3A_5, %scan3A_6 : i32
    %scan3A_8 = arith.constant 1 : i32
    %scan3A_9 = scf.for %scan3A_18 = %scan3A_5 to %scan3A_7 step %scan3A_8 iter_args(%scan3A_19 = %scan3A) -> (i32)  : i32 {
      %mul3A_20 = arith.constant 128 : i32
      %mul3A_21 = arith.muli %scan3A_18, %mul3A_20 : i32
      %dma_start3A = arith.constant 0 : i32
      %dma_start3A_22 = tpu.memref_slice %arg6[%mul3A_21, %dma_start3A] : memref<5120x16xf32, #tpu.memory_space<vmem>> -> memref<128x16xf32, #tpu.memory_space<vmem>>
      %dma_start3A_23 = arith.constant 0 : i32
      %dma_start3A_24 = tpu.memref_slice %arg5[%scan3A_18, %dma_start3A_23] : memref<40x128xi32, #tpu.memory_space<vmem>> -> memref<1x128xi32, #tpu.memory_space<vmem>>
      %dma_start3A_25 = tpu.memref_squeeze %dma_start3A_24 : memref<1x128xi32, #tpu.memory_space<vmem>> -> memref<128xi32, #tpu.memory_space<vmem>>
      %dma_start3A_26 = arith.constant 0 : i32
      %dma_start3A_27 = arith.constant 0 : i32
      %dma_start3A_28 = tpu.memref_slice %arg7[%dma_start3A_26, %dma_start3A_27] : memref<10016x16xf32, #tpu.memory_space<vmem_shared>> -> memref<10016x16xf32, #tpu.memory_space<vmem_shared>>
      tpu.enqueue_indirect_dma source(%dma_start3A_28 : memref<10016x16xf32, #tpu.memory_space<vmem_shared>>) target(%dma_start3A_22 : memref<128x16xf32, #tpu.memory_space<vmem>>) offsets(%dma_start3A_25 : memref<128xi32, #tpu.memory_space<vmem>>) semaphore(%arg8 : memref<!tpu.dma_semaphore, #tpu.memory_space<semaphore_mem>>)
      %scan3A_29 = arith.constant 0 : i32
      scf.yield %scan3A_29 : i32
    }
    %scan3A_10 = arith.constant 40 : i32
    %dma_wait3A = arith.constant 0 : i32
    %dma_wait3A_11 = arith.constant 0 : i32
    %dma_wait3A_12 = tpu.memref_slice %arg2[%dma_wait3A, %dma_wait3A_11] : memref<10016x16xf32, #tpu.memory_space<hbm>> -> memref<5120x16xf32, #tpu.memory_space<hbm>>
    %dma_wait3A_13 = arith.constant 0 : i32
    %dma_wait3A_14 = arith.constant 0 : i32
    %dma_wait3A_15 = tpu.memref_slice %arg2[%dma_wait3A_13, %dma_wait3A_14] : memref<10016x16xf32, #tpu.memory_space<hbm>> -> memref<5120x16xf32, #tpu.memory_space<hbm>>
    tpu.wait_dma2 semaphore(%arg8 : memref<!tpu.dma_semaphore, #tpu.memory_space<semaphore_mem>>) src(%dma_wait3A_15 : memref<5120x16xf32, #tpu.memory_space<hbm>>) dst(%arg6 : memref<5120x16xf32, #tpu.memory_space<vmem>>)
    %mul3A_16 = arith.constant 5120 : i32
    %mul3A_17 = arith.muli %add3A, %mul3A_16 : i32
    "tpu.region"() ({
      %run_scoped3A_18 = tpu.sem_alloc : memref<!tpu.dma_semaphore, #tpu.memory_space<semaphore_mem>>
      %dma_start3A = arith.constant 0 : i32
      %dma_start3A_19 = tpu.memref_slice %arg4[%mul3A_17, %dma_start3A] : memref<163840x16xf32, #tpu.memory_space<hbm>> -> memref<5120x16xf32, #tpu.memory_space<hbm>>
      %dma_start3A_20 = arith.constant 0 : i32
      %dma_start3A_21 = tpu.memref_slice %arg4[%mul3A_17, %dma_start3A_20] : memref<163840x16xf32, #tpu.memory_space<hbm>> -> memref<5120x16xf32, #tpu.memory_space<hbm>>
      tpu.enqueue_dma source(%arg6 : memref<5120x16xf32, #tpu.memory_space<vmem>>) target(%dma_start3A_21 : memref<5120x16xf32, #tpu.memory_space<hbm>>) target_semaphore(%run_scoped3A_18 : memref<!tpu.dma_semaphore, #tpu.memory_space<semaphore_mem>>)
      %dma_wait3A_22 = arith.constant 0 : i32
      %dma_wait3A_23 = tpu.memref_slice %arg4[%mul3A_17, %dma_wait3A_22] : memref<163840x16xf32, #tpu.memory_space<hbm>> -> memref<5120x16xf32, #tpu.memory_space<hbm>>
      %dma_wait3A_24 = arith.constant 0 : i32
      %dma_wait3A_25 = tpu.memref_slice %arg4[%mul3A_17, %dma_wait3A_24] : memref<163840x16xf32, #tpu.memory_space<hbm>> -> memref<5120x16xf32, #tpu.memory_space<hbm>>
      tpu.wait_dma2 semaphore(%run_scoped3A_18 : memref<!tpu.dma_semaphore, #tpu.memory_space<semaphore_mem>>) src(%arg6 : memref<5120x16xf32, #tpu.memory_space<vmem>>) dst(%dma_wait3A_25 : memref<5120x16xf32, #tpu.memory_space<hbm>>)
      tpu.yield
    }) : () -> ()
    return
  }
}

#map = affine_map<(d0, d1) -> (0, 0)>
#map1 = affine_map<(d0, d1) -> (0, 0, 0)>
module attributes {stable_mosaic.version = 14 : i64} {
  func.func @_gather_body(%arg0: i32, %arg1: i32, %arg2: memref<10016x16xf32, #tpu.memory_space<hbm>>, %arg3: memref<2x1280x128xi32, #tpu.memory_space<hbm>>, %arg4: memref<163840x16xf32, #tpu.memory_space<hbm>>, %arg5: memref<40x128xi32, #tpu.memory_space<vmem>>, %arg6: memref<5120x16xf32, #tpu.memory_space<vmem>>, %arg7: memref<10016x16xf32, #tpu.memory_space<vmem_shared>>, %arg8: memref<!tpu.dma_semaphore, #tpu.memory_space<semaphore_mem>>) attributes {dimension_semantics = [#tpu.dimension_semantics<core_parallel>, #tpu.dimension_semantics<subcore_parallel>], iteration_bounds = array<i64: 2, 16>, scalar_prefetch = 0 : i64, scratch_operands = 4 : i64, tpu.core_type = #tpu.core_type<sc_vector_subcore>, window_params = [{transform_indices = #map}, {transform_indices = #map1}, {transform_indices = #map}]} {
    %mul3A = arith.constant 16 : i32
    %mul3A_0 = arith.muli %arg0, %mul3A : i32
    %add3A = arith.addi %mul3A_0, %arg1 : i32
    %mul3A_1 = arith.constant 626 : i32
    %mul3A_2 = arith.muli %arg1, %mul3A_1 : i32
    "tpu.region"() ({
      %run_scoped3A_18 = tpu.sem_alloc : memref<!tpu.dma_semaphore, #tpu.memory_space<semaphore_mem>>
      %dma_start3A = arith.constant 0 : i32
      %dma_start3A_19 = tpu.memref_slice %arg7[%mul3A_2, %dma_start3A] : memref<10016x16xf32, #tpu.memory_space<vmem_shared>> -> memref<626x16xf32, #tpu.memory_space<vmem_shared>>
      %dma_start3A_20 = arith.constant 0 : i32
      %dma_start3A_21 = tpu.memref_slice %arg2[%mul3A_2, %dma_start3A_20] : memref<10016x16xf32, #tpu.memory_space<hbm>> -> memref<626x16xf32, #tpu.memory_space<hbm>>
      tpu.enqueue_dma source(%dma_start3A_21 : memref<626x16xf32, #tpu.memory_space<hbm>>) target(%dma_start3A_19 : memref<626x16xf32, #tpu.memory_space<vmem_shared>>) target_semaphore(%run_scoped3A_18 : memref<!tpu.dma_semaphore, #tpu.memory_space<semaphore_mem>>)
      %dma_wait3A_22 = arith.constant 0 : i32
      %dma_wait3A_23 = tpu.memref_slice %arg7[%mul3A_2, %dma_wait3A_22] : memref<10016x16xf32, #tpu.memory_space<vmem_shared>> -> memref<626x16xf32, #tpu.memory_space<vmem_shared>>
      %dma_wait3A_24 = arith.constant 0 : i32
      %dma_wait3A_25 = tpu.memref_slice %arg2[%mul3A_2, %dma_wait3A_24] : memref<10016x16xf32, #tpu.memory_space<hbm>> -> memref<626x16xf32, #tpu.memory_space<hbm>>
      tpu.wait_dma2 semaphore(%run_scoped3A_18 : memref<!tpu.dma_semaphore, #tpu.memory_space<semaphore_mem>>) src(%dma_wait3A_25 : memref<626x16xf32, #tpu.memory_space<hbm>>) dst(%dma_wait3A_23 : memref<626x16xf32, #tpu.memory_space<vmem_shared>>)
      tpu.yield
    }) : () -> ()
    %mul3A_3 = arith.constant 40 : i32
    %mul3A_4 = arith.muli %add3A, %mul3A_3 : i32
    %run_scoped3A = arith.constant 0 : i32
    "tpu.region"() ({
      %run_scoped3A_18 = tpu.sem_alloc : memref<!tpu.dma_semaphore, #tpu.memory_space<semaphore_mem>>
      %dma_start3A = arith.constant 0 : i32
      %dma_start3A_19 = tpu.memref_slice %arg3[%run_scoped3A, %mul3A_4, %dma_start3A] : memref<2x1280x128xi32, #tpu.memory_space<hbm>> -> memref<1x40x128xi32, #tpu.memory_space<hbm>>
      %dma_start3A_20 = tpu.memref_squeeze %dma_start3A_19 : memref<1x40x128xi32, #tpu.memory_space<hbm>> -> memref<40x128xi32, #tpu.memory_space<hbm>>
      %dma_start3A_21 = arith.constant 0 : i32
      %dma_start3A_22 = tpu.memref_slice %arg3[%run_scoped3A, %mul3A_4, %dma_start3A_21] : memref<2x1280x128xi32, #tpu.memory_space<hbm>> -> memref<1x40x128xi32, #tpu.memory_space<hbm>>
      %dma_start3A_23 = tpu.memref_squeeze %dma_start3A_22 : memref<1x40x128xi32, #tpu.memory_space<hbm>> -> memref<40x128xi32, #tpu.memory_space<hbm>>
      tpu.enqueue_dma source(%dma_start3A_23 : memref<40x128xi32, #tpu.memory_space<hbm>>) target(%arg5 : memref<40x128xi32, #tpu.memory_space<vmem>>) target_semaphore(%run_scoped3A_18 : memref<!tpu.dma_semaphore, #tpu.memory_space<semaphore_mem>>)
      %dma_wait3A_24 = arith.constant 0 : i32
      %dma_wait3A_25 = tpu.memref_slice %arg3[%run_scoped3A, %mul3A_4, %dma_wait3A_24] : memref<2x1280x128xi32, #tpu.memory_space<hbm>> -> memref<1x40x128xi32, #tpu.memory_space<hbm>>
      %dma_wait3A_26 = tpu.memref_squeeze %dma_wait3A_25 : memref<1x40x128xi32, #tpu.memory_space<hbm>> -> memref<40x128xi32, #tpu.memory_space<hbm>>
      %dma_wait3A_27 = arith.constant 0 : i32
      %dma_wait3A_28 = tpu.memref_slice %arg3[%run_scoped3A, %mul3A_4, %dma_wait3A_27] : memref<2x1280x128xi32, #tpu.memory_space<hbm>> -> memref<1x40x128xi32, #tpu.memory_space<hbm>>
      %dma_wait3A_29 = tpu.memref_squeeze %dma_wait3A_28 : memref<1x40x128xi32, #tpu.memory_space<hbm>> -> memref<40x128xi32, #tpu.memory_space<hbm>>
      tpu.wait_dma2 semaphore(%run_scoped3A_18 : memref<!tpu.dma_semaphore, #tpu.memory_space<semaphore_mem>>) src(%dma_wait3A_29 : memref<40x128xi32, #tpu.memory_space<hbm>>) dst(%arg5 : memref<40x128xi32, #tpu.memory_space<vmem>>)
      tpu.yield
    }) : () -> ()
    %barrier3A = arith.constant 0 : index
    tpu.barrier barrier_id(%barrier3A)
    %scan3A = arith.constant 0 : i32
    %scan3A_5 = arith.constant 0 : i32
    %scan3A_6 = arith.constant 40 : i32
    %scan3A_7 = arith.addi %scan3A_5, %scan3A_6 : i32
    %scan3A_8 = arith.constant 1 : i32
    %scan3A_9 = scf.for %scan3A_18 = %scan3A_5 to %scan3A_7 step %scan3A_8 iter_args(%scan3A_19 = %scan3A) -> (i32)  : i32 {
      %mul3A_20 = arith.constant 128 : i32
      %mul3A_21 = arith.muli %scan3A_18, %mul3A_20 : i32
      %dma_start3A = arith.constant 0 : i32
      %dma_start3A_22 = tpu.memref_slice %arg6[%mul3A_21, %dma_start3A] : memref<5120x16xf32, #tpu.memory_space<vmem>> -> memref<128x16xf32, #tpu.memory_space<vmem>>
      %dma_start3A_23 = arith.constant 0 : i32
      %dma_start3A_24 = tpu.memref_slice %arg5[%scan3A_18, %dma_start3A_23] : memref<40x128xi32, #tpu.memory_space<vmem>> -> memref<1x128xi32, #tpu.memory_space<vmem>>
      %dma_start3A_25 = tpu.memref_squeeze %dma_start3A_24 : memref<1x128xi32, #tpu.memory_space<vmem>> -> memref<128xi32, #tpu.memory_space<vmem>>
      %dma_start3A_26 = arith.constant 0 : i32
      %dma_start3A_27 = arith.constant 0 : i32
      %dma_start3A_28 = tpu.memref_slice %arg7[%dma_start3A_26, %dma_start3A_27] : memref<10016x16xf32, #tpu.memory_space<vmem_shared>> -> memref<10016x16xf32, #tpu.memory_space<vmem_shared>>
      tpu.enqueue_indirect_dma source(%dma_start3A_28 : memref<10016x16xf32, #tpu.memory_space<vmem_shared>>) target(%dma_start3A_22 : memref<128x16xf32, #tpu.memory_space<vmem>>) offsets(%dma_start3A_25 : memref<128xi32, #tpu.memory_space<vmem>>) semaphore(%arg8 : memref<!tpu.dma_semaphore, #tpu.memory_space<semaphore_mem>>)
      %scan3A_29 = arith.constant 0 : i32
      scf.yield %scan3A_29 : i32
    }
    %scan3A_10 = arith.constant 40 : i32
    %dma_wait3A = arith.constant 0 : i32
    %dma_wait3A_11 = arith.constant 0 : i32
    %dma_wait3A_12 = tpu.memref_slice %arg2[%dma_wait3A, %dma_wait3A_11] : memref<10016x16xf32, #tpu.memory_space<hbm>> -> memref<5120x16xf32, #tpu.memory_space<hbm>>
    %dma_wait3A_13 = arith.constant 0 : i32
    %dma_wait3A_14 = arith.constant 0 : i32
    %dma_wait3A_15 = tpu.memref_slice %arg2[%dma_wait3A_13, %dma_wait3A_14] : memref<10016x16xf32, #tpu.memory_space<hbm>> -> memref<5120x16xf32, #tpu.memory_space<hbm>>
    tpu.wait_dma2 semaphore(%arg8 : memref<!tpu.dma_semaphore, #tpu.memory_space<semaphore_mem>>) src(%dma_wait3A_15 : memref<5120x16xf32, #tpu.memory_space<hbm>>) dst(%arg6 : memref<5120x16xf32, #tpu.memory_space<vmem>>)
    %mul3A_16 = arith.constant 5120 : i32
    %mul3A_17 = arith.muli %add3A, %mul3A_16 : i32
    "tpu.region"() ({
      %run_scoped3A_18 = tpu.sem_alloc : memref<!tpu.dma_semaphore, #tpu.memory_space<semaphore_mem>>
      %dma_start3A = arith.constant 0 : i32
      %dma_start3A_19 = tpu.memref_slice %arg4[%mul3A_17, %dma_start3A] : memref<163840x16xf32, #tpu.memory_space<hbm>> -> memref<5120x16xf32, #tpu.memory_space<hbm>>
      %dma_start3A_20 = arith.constant 0 : i32
      %dma_start3A_21 = tpu.memref_slice %arg4[%mul3A_17, %dma_start3A_20] : memref<163840x16xf32, #tpu.memory_space<hbm>> -> memref<5120x16xf32, #tpu.memory_space<hbm>>
      tpu.enqueue_dma source(%arg6 : memref<5120x16xf32, #tpu.memory_space<vmem>>) target(%dma_start3A_21 : memref<5120x16xf32, #tpu.memory_space<hbm>>) target_semaphore(%run_scoped3A_18 : memref<!tpu.dma_semaphore, #tpu.memory_space<semaphore_mem>>)
      %dma_wait3A_22 = arith.constant 0 : i32
      %dma_wait3A_23 = tpu.memref_slice %arg4[%mul3A_17, %dma_wait3A_22] : memref<163840x16xf32, #tpu.memory_space<hbm>> -> memref<5120x16xf32, #tpu.memory_space<hbm>>
      %dma_wait3A_24 = arith.constant 0 : i32
      %dma_wait3A_25 = tpu.memref_slice %arg4[%mul3A_17, %dma_wait3A_24] : memref<163840x16xf32, #tpu.memory_space<hbm>> -> memref<5120x16xf32, #tpu.memory_space<hbm>>
      tpu.wait_dma2 semaphore(%run_scoped3A_18 : memref<!tpu.dma_semaphore, #tpu.memory_space<semaphore_mem>>) src(%arg6 : memref<5120x16xf32, #tpu.memory_space<vmem>>) dst(%dma_wait3A_25 : memref<5120x16xf32, #tpu.memory_space<hbm>>)
      tpu.yield
    }) : () -> ()
    return
  }
}

#map = affine_map<(d0, d1) -> (0, 0)>
#map1 = affine_map<(d0, d1) -> (0, 0, 0)>
module attributes {stable_mosaic.version = 14 : i64} {
  func.func @_scatter_body(%arg0: i32, %arg1: i32, %arg2: memref<163840x16xf32, #tpu.memory_space<hbm>>, %arg3: memref<2x1280x128xi32, #tpu.memory_space<hbm>>, %arg4: memref<2x10016x16xf32, #tpu.memory_space<hbm>>, %arg5: memref<2x10016x16xf32, #tpu.memory_space<hbm>>, %arg6: memref<40x128xi32, #tpu.memory_space<vmem>>, %arg7: memref<5120x16xf32, #tpu.memory_space<vmem>>, %arg8: memref<128x16xf32, #tpu.memory_space<vmem>>, %arg9: memref<626x16xf32, #tpu.memory_space<vmem>>, %arg10: memref<10016x16xf32, #tpu.memory_space<vmem_shared>>, %arg11: memref<10016x16xf32, #tpu.memory_space<vmem_shared>>, %arg12: memref<!tpu.dma_semaphore, #tpu.memory_space<semaphore_mem>>, %arg13: memref<!tpu.dma_semaphore, #tpu.memory_space<semaphore_mem>>, %arg14: memref<!tpu.dma_semaphore, #tpu.memory_space<semaphore_mem>>) attributes {dimension_semantics = [#tpu.dimension_semantics<core_parallel>, #tpu.dimension_semantics<subcore_parallel>], iteration_bounds = array<i64: 2, 16>, scalar_prefetch = 0 : i64, scratch_operands = 9 : i64, tpu.core_type = #tpu.core_type<sc_vector_subcore>, window_params = [{transform_indices = #map}, {transform_indices = #map1}, {transform_indices = #map1}, {transform_indices = #map1}]} {
    %mul3A = arith.constant 16 : i32
    %mul3A_0 = arith.muli %arg0, %mul3A : i32
    %add3A = arith.addi %mul3A_0, %arg1 : i32
    %scan3A = arith.constant 0 : i32
    %scan3A_1 = arith.constant 0 : i32
    %scan3A_2 = arith.constant 626 : i32
    %scan3A_3 = arith.addi %scan3A_1, %scan3A_2 : i32
    %scan3A_4 = arith.constant 1 : i32
    %scan3A_5 = scf.for %scan3A_50 = %scan3A_1 to %scan3A_3 step %scan3A_4 iter_args(%scan3A_51 = %scan3A) -> (i32)  : i32 {
      %broadcast_in_dim3A = arith.constant 0.000000e+00 : f32
      %broadcast_in_dim3A_52 = vector.broadcast %broadcast_in_dim3A : f32 to vector<16xf32>
      %swap3A = arith.index_cast %scan3A_50 : i32 to index
      %swap3A_53 = arith.constant 0 : index
      %swap3A_54 = tpu.vector_load %arg9[%swap3A, %swap3A_53] {strides = array<i32>} : memref<626x16xf32, #tpu.memory_space<vmem>>, vector<1x16xf32>,
      %swap3A_55 = vector.shape_cast %swap3A_54 : vector<1x16xf32> to vector<16xf32>
      %swap3A_56 = vector.shape_cast %broadcast_in_dim3A_52 : vector<16xf32> to vector<1x16xf32>
      tpu.vector_store %arg9[%swap3A, %swap3A_53], %swap3A_56 {strides = array<i32>} : memref<626x16xf32, #tpu.memory_space<vmem>>, vector<1x16xf32>,
      %scan3A_57 = arith.constant 0 : i32
      scf.yield %scan3A_57 : i32
    }
    %scan3A_6 = arith.constant 626 : i32
    %scan3A_7 = arith.constant 0 : i32
    %scan3A_8 = arith.constant 0 : i32
    %scan3A_9 = arith.constant 128 : i32
    %scan3A_10 = arith.addi %scan3A_8, %scan3A_9 : i32
    %scan3A_11 = arith.constant 1 : i32
    %scan3A_12 = scf.for %scan3A_50 = %scan3A_8 to %scan3A_10 step %scan3A_11 iter_args(%scan3A_51 = %scan3A_7) -> (i32)  : i32 {
      %broadcast_in_dim3A = arith.constant 1.000000e+00 : f32
      %broadcast_in_dim3A_52 = vector.broadcast %broadcast_in_dim3A : f32 to vector<16xf32>
      %swap3A = arith.index_cast %scan3A_50 : i32 to index
      %swap3A_53 = arith.constant 0 : index
      %swap3A_54 = tpu.vector_load %arg8[%swap3A, %swap3A_53] {strides = array<i32>} : memref<128x16xf32, #tpu.memory_space<vmem>>, vector<1x16xf32>,
      %swap3A_55 = vector.shape_cast %swap3A_54 : vector<1x16xf32> to vector<16xf32>
      %swap3A_56 = vector.shape_cast %broadcast_in_dim3A_52 : vector<16xf32> to vector<1x16xf32>
      tpu.vector_store %arg8[%swap3A, %swap3A_53], %swap3A_56 {strides = array<i32>} : memref<128x16xf32, #tpu.memory_space<vmem>>, vector<1x16xf32>,
      %scan3A_57 = arith.constant 0 : i32
      scf.yield %scan3A_57 : i32
    }
    %scan3A_13 = arith.constant 128 : i32
    %mul3A_14 = arith.constant 626 : i32
    %mul3A_15 = arith.muli %arg1, %mul3A_14 : i32
    "tpu.region"() ({
      %run_scoped3A_50 = tpu.sem_alloc : memref<!tpu.dma_semaphore, #tpu.memory_space<semaphore_mem>>
      %dma_start3A_51 = arith.constant 0 : i32
      %dma_start3A_52 = tpu.memref_slice %arg10[%mul3A_15, %dma_start3A_51] : memref<10016x16xf32, #tpu.memory_space<vmem_shared>> -> memref<626x16xf32, #tpu.memory_space<vmem_shared>>
      %dma_start3A_53 = arith.constant 0 : i32
      %dma_start3A_54 = tpu.memref_slice %arg10[%mul3A_15, %dma_start3A_53] : memref<10016x16xf32, #tpu.memory_space<vmem_shared>> -> memref<626x16xf32, #tpu.memory_space<vmem_shared>>
      tpu.enqueue_dma source(%arg9 : memref<626x16xf32, #tpu.memory_space<vmem>>) target(%dma_start3A_54 : memref<626x16xf32, #tpu.memory_space<vmem_shared>>) target_semaphore(%run_scoped3A_50 : memref<!tpu.dma_semaphore, #tpu.memory_space<semaphore_mem>>)
      %dma_wait3A_55 = arith.constant 0 : i32
      %dma_wait3A_56 = tpu.memref_slice %arg10[%mul3A_15, %dma_wait3A_55] : memref<10016x16xf32, #tpu.memory_space<vmem_shared>> -> memref<626x16xf32, #tpu.memory_space<vmem_shared>>
      %dma_wait3A_57 = arith.constant 0 : i32
      %dma_wait3A_58 = tpu.memref_slice %arg10[%mul3A_15, %dma_wait3A_57] : memref<10016x16xf32, #tpu.memory_space<vmem_shared>> -> memref<626x16xf32, #tpu.memory_space<vmem_shared>>
      tpu.wait_dma2 semaphore(%run_scoped3A_50 : memref<!tpu.dma_semaphore, #tpu.memory_space<semaphore_mem>>) src(%arg9 : memref<626x16xf32, #tpu.memory_space<vmem>>) dst(%dma_wait3A_58 : memref<626x16xf32, #tpu.memory_space<vmem_shared>>)
      tpu.yield
    }) : () -> ()
    %mul3A_16 = arith.constant 626 : i32
    %mul3A_17 = arith.muli %arg1, %mul3A_16 : i32
    "tpu.region"() ({
      %run_scoped3A_50 = tpu.sem_alloc : memref<!tpu.dma_semaphore, #tpu.memory_space<semaphore_mem>>
      %dma_start3A_51 = arith.constant 0 : i32
      %dma_start3A_52 = tpu.memref_slice %arg11[%mul3A_17, %dma_start3A_51] : memref<10016x16xf32, #tpu.memory_space<vmem_shared>> -> memref<626x16xf32, #tpu.memory_space<vmem_shared>>
      %dma_start3A_53 = arith.constant 0 : i32
      %dma_start3A_54 = tpu.memref_slice %arg11[%mul3A_17, %dma_start3A_53] : memref<10016x16xf32, #tpu.memory_space<vmem_shared>> -> memref<626x16xf32, #tpu.memory_space<vmem_shared>>
      tpu.enqueue_dma source(%arg9 : memref<626x16xf32, #tpu.memory_space<vmem>>) target(%dma_start3A_54 : memref<626x16xf32, #tpu.memory_space<vmem_shared>>) target_semaphore(%run_scoped3A_50 : memref<!tpu.dma_semaphore, #tpu.memory_space<semaphore_mem>>)
      %dma_wait3A_55 = arith.constant 0 : i32
      %dma_wait3A_56 = tpu.memref_slice %arg11[%mul3A_17, %dma_wait3A_55] : memref<10016x16xf32, #tpu.memory_space<vmem_shared>> -> memref<626x16xf32, #tpu.memory_space<vmem_shared>>
      %dma_wait3A_57 = arith.constant 0 : i32
      %dma_wait3A_58 = tpu.memref_slice %arg11[%mul3A_17, %dma_wait3A_57] : memref<10016x16xf32, #tpu.memory_space<vmem_shared>> -> memref<626x16xf32, #tpu.memory_space<vmem_shared>>
      tpu.wait_dma2 semaphore(%run_scoped3A_50 : memref<!tpu.dma_semaphore, #tpu.memory_space<semaphore_mem>>) src(%arg9 : memref<626x16xf32, #tpu.memory_space<vmem>>) dst(%dma_wait3A_58 : memref<626x16xf32, #tpu.memory_space<vmem_shared>>)
      tpu.yield
    }) : () -> ()
    %mul3A_18 = arith.constant 40 : i32
    %mul3A_19 = arith.muli %add3A, %mul3A_18 : i32
    %run_scoped3A = arith.constant 1 : i32
    "tpu.region"() ({
      %run_scoped3A_50 = tpu.sem_alloc : memref<!tpu.dma_semaphore, #tpu.memory_space<semaphore_mem>>
      %dma_start3A_51 = arith.constant 0 : i32
      %dma_start3A_52 = tpu.memref_slice %arg3[%run_scoped3A, %mul3A_19, %dma_start3A_51] : memref<2x1280x128xi32, #tpu.memory_space<hbm>> -> memref<1x40x128xi32, #tpu.memory_space<hbm>>
      %dma_start3A_53 = tpu.memref_squeeze %dma_start3A_52 : memref<1x40x128xi32, #tpu.memory_space<hbm>> -> memref<40x128xi32, #tpu.memory_space<hbm>>
      %dma_start3A_54 = arith.constant 0 : i32
      %dma_start3A_55 = tpu.memref_slice %arg3[%run_scoped3A, %mul3A_19, %dma_start3A_54] : memref<2x1280x128xi32, #tpu.memory_space<hbm>> -> memref<1x40x128xi32, #tpu.memory_space<hbm>>
      %dma_start3A_56 = tpu.memref_squeeze %dma_start3A_55 : memref<1x40x128xi32, #tpu.memory_space<hbm>> -> memref<40x128xi32, #tpu.memory_space<hbm>>
      tpu.enqueue_dma source(%dma_start3A_56 : memref<40x128xi32, #tpu.memory_space<hbm>>) target(%arg6 : memref<40x128xi32, #tpu.memory_space<vmem>>) target_semaphore(%run_scoped3A_50 : memref<!tpu.dma_semaphore, #tpu.memory_space<semaphore_mem>>)
      %dma_wait3A_57 = arith.constant 0 : i32
      %dma_wait3A_58 = tpu.memref_slice %arg3[%run_scoped3A, %mul3A_19, %dma_wait3A_57] : memref<2x1280x128xi32, #tpu.memory_space<hbm>> -> memref<1x40x128xi32, #tpu.memory_space<hbm>>
      %dma_wait3A_59 = tpu.memref_squeeze %dma_wait3A_58 : memref<1x40x128xi32, #tpu.memory_space<hbm>> -> memref<40x128xi32, #tpu.memory_space<hbm>>
      %dma_wait3A_60 = arith.constant 0 : i32
      %dma_wait3A_61 = tpu.memref_slice %arg3[%run_scoped3A, %mul3A_19, %dma_wait3A_60] : memref<2x1280x128xi32, #tpu.memory_space<hbm>> -> memref<1x40x128xi32, #tpu.memory_space<hbm>>
      %dma_wait3A_62 = tpu.memref_squeeze %dma_wait3A_61 : memref<1x40x128xi32, #tpu.memory_space<hbm>> -> memref<40x128xi32, #tpu.memory_space<hbm>>
      tpu.wait_dma2 semaphore(%run_scoped3A_50 : memref<!tpu.dma_semaphore, #tpu.memory_space<semaphore_mem>>) src(%dma_wait3A_62 : memref<40x128xi32, #tpu.memory_space<hbm>>) dst(%arg6 : memref<40x128xi32, #tpu.memory_space<vmem>>)
      tpu.yield
    }) : () -> ()
    %mul3A_20 = arith.constant 5120 : i32
    %mul3A_21 = arith.muli %add3A, %mul3A_20 : i32
    %dma_start3A = arith.constant 0 : i32
    %dma_start3A_22 = tpu.memref_slice %arg2[%mul3A_21, %dma_start3A] : memref<163840x16xf32, #tpu.memory_space<hbm>> -> memref<5120x16xf32, #tpu.memory_space<hbm>>
    %dma_start3A_23 = arith.constant 0 : i32
    %dma_start3A_24 = tpu.memref_slice %arg2[%mul3A_21, %dma_start3A_23] : memref<163840x16xf32, #tpu.memory_space<hbm>> -> memref<5120x16xf32, #tpu.memory_space<hbm>>
    tpu.enqueue_dma source(%dma_start3A_24 : memref<5120x16xf32, #tpu.memory_space<hbm>>) target(%arg7 : memref<5120x16xf32, #tpu.memory_space<vmem>>) target_semaphore(%arg12 : memref<!tpu.dma_semaphore, #tpu.memory_space<semaphore_mem>>)
    %dma_wait3A = arith.constant 0 : i32
    %dma_wait3A_25 = tpu.memref_slice %arg2[%mul3A_21, %dma_wait3A] : memref<163840x16xf32, #tpu.memory_space<hbm>> -> memref<5120x16xf32, #tpu.memory_space<hbm>>
    %dma_wait3A_26 = arith.constant 0 : i32
    %dma_wait3A_27 = tpu.memref_slice %arg2[%mul3A_21, %dma_wait3A_26] : memref<163840x16xf32, #tpu.memory_space<hbm>> -> memref<5120x16xf32, #tpu.memory_space<hbm>>
    tpu.wait_dma2 semaphore(%arg12 : memref<!tpu.dma_semaphore, #tpu.memory_space<semaphore_mem>>) src(%dma_wait3A_27 : memref<5120x16xf32, #tpu.memory_space<hbm>>) dst(%arg7 : memref<5120x16xf32, #tpu.memory_space<vmem>>)
    %barrier3A = arith.constant 0 : index
    tpu.barrier barrier_id(%barrier3A)
    %scan3A_28 = arith.constant 0 : i32
    %scan3A_29 = arith.constant 0 : i32
    %scan3A_30 = arith.constant 40 : i32
    %scan3A_31 = arith.addi %scan3A_29, %scan3A_30 : i32
    %scan3A_32 = arith.constant 1 : i32
    %scan3A_33 = scf.for %scan3A_50 = %scan3A_29 to %scan3A_31 step %scan3A_32 iter_args(%scan3A_51 = %scan3A_28) -> (i32)  : i32 {
      %mul3A_52 = arith.constant 128 : i32
      %mul3A_53 = arith.muli %scan3A_50, %mul3A_52 : i32
      %dma_start3A_54 = arith.constant 0 : i32
      %dma_start3A_55 = tpu.memref_slice %arg7[%mul3A_53, %dma_start3A_54] : memref<5120x16xf32, #tpu.memory_space<vmem>> -> memref<128x16xf32, #tpu.memory_space<vmem>>
      %dma_start3A_56 = arith.constant 0 : i32
      %dma_start3A_57 = tpu.memref_slice %arg6[%scan3A_50, %dma_start3A_56] : memref<40x128xi32, #tpu.memory_space<vmem>> -> memref<1x128xi32, #tpu.memory_space<vmem>>
      %dma_start3A_58 = tpu.memref_squeeze %dma_start3A_57 : memref<1x128xi32, #tpu.memory_space<vmem>> -> memref<128xi32, #tpu.memory_space<vmem>>
      %dma_start3A_59 = arith.constant 0 : i32
      %dma_start3A_60 = arith.constant 0 : i32
      %dma_start3A_61 = tpu.memref_slice %arg10[%dma_start3A_59, %dma_start3A_60] : memref<10016x16xf32, #tpu.memory_space<vmem_shared>> -> memref<10016x16xf32, #tpu.memory_space<vmem_shared>>
      tpu.enqueue_indirect_dma source(%dma_start3A_55 : memref<128x16xf32, #tpu.memory_space<vmem>>) target(%dma_start3A_61 : memref<10016x16xf32, #tpu.memory_space<vmem_shared>>) offsets(%dma_start3A_58 : memref<128xi32, #tpu.memory_space<vmem>>) semaphore(%arg13 : memref<!tpu.dma_semaphore, #tpu.memory_space<semaphore_mem>>) {add = true}
      %dma_start3A_62 = arith.constant 0 : i32
      %dma_start3A_63 = tpu.memref_slice %arg6[%scan3A_50, %dma_start3A_62] : memref<40x128xi32, #tpu.memory_space<vmem>> -> memref<1x128xi32, #tpu.memory_space<vmem>>
      %dma_start3A_64 = tpu.memref_squeeze %dma_start3A_63 : memref<1x128xi32, #tpu.memory_space<vmem>> -> memref<128xi32, #tpu.memory_space<vmem>>
      %dma_start3A_65 = arith.constant 0 : i32
      %dma_start3A_66 = arith.constant 0 : i32
      %dma_start3A_67 = tpu.memref_slice %arg11[%dma_start3A_65, %dma_start3A_66] : memref<10016x16xf32, #tpu.memory_space<vmem_shared>> -> memref<10016x16xf32, #tpu.memory_space<vmem_shared>>
      tpu.enqueue_indirect_dma source(%arg8 : memref<128x16xf32, #tpu.memory_space<vmem>>) target(%dma_start3A_67 : memref<10016x16xf32, #tpu.memory_space<vmem_shared>>) offsets(%dma_start3A_64 : memref<128xi32, #tpu.memory_space<vmem>>) semaphore(%arg14 : memref<!tpu.dma_semaphore, #tpu.memory_space<semaphore_mem>>) {add = true}
      %scan3A_68 = arith.constant 0 : i32
      scf.yield %scan3A_68 : i32
    }
    %scan3A_34 = arith.constant 40 : i32
    %dma_wait3A_35 = arith.constant 0 : i32
    %dma_wait3A_36 = arith.constant 0 : i32
    %dma_wait3A_37 = tpu.memref_slice %arg2[%dma_wait3A_35, %dma_wait3A_36] : memref<163840x16xf32, #tpu.memory_space<hbm>> -> memref<5120x16xf32, #tpu.memory_space<hbm>>
    %dma_wait3A_38 = arith.constant 0 : i32
    %dma_wait3A_39 = arith.constant 0 : i32
    %dma_wait3A_40 = tpu.memref_slice %arg2[%dma_wait3A_38, %dma_wait3A_39] : memref<163840x16xf32, #tpu.memory_space<hbm>> -> memref<5120x16xf32, #tpu.memory_space<hbm>>
    tpu.wait_dma2 semaphore(%arg13 : memref<!tpu.dma_semaphore, #tpu.memory_space<semaphore_mem>>) src(%dma_wait3A_40 : memref<5120x16xf32, #tpu.memory_space<hbm>>) dst(%arg7 : memref<5120x16xf32, #tpu.memory_space<vmem>>)
    %dma_wait3A_41 = arith.constant 0 : i32
    %dma_wait3A_42 = arith.constant 0 : i32
    %dma_wait3A_43 = tpu.memref_slice %arg2[%dma_wait3A_41, %dma_wait3A_42] : memref<163840x16xf32, #tpu.memory_space<hbm>> -> memref<5120x16xf32, #tpu.memory_space<hbm>>
    %dma_wait3A_44 = arith.constant 0 : i32
    %dma_wait3A_45 = arith.constant 0 : i32
    %dma_wait3A_46 = tpu.memref_slice %arg2[%dma_wait3A_44, %dma_wait3A_45] : memref<163840x16xf32, #tpu.memory_space<hbm>> -> memref<5120x16xf32, #tpu.memory_space<hbm>>
    tpu.wait_dma2 semaphore(%arg14 : memref<!tpu.dma_semaphore, #tpu.memory_space<semaphore_mem>>) src(%dma_wait3A_46 : memref<5120x16xf32, #tpu.memory_space<hbm>>) dst(%arg7 : memref<5120x16xf32, #tpu.memory_space<vmem>>)
    %barrier3A_47 = arith.constant 0 : index
    tpu.barrier barrier_id(%barrier3A_47)
    %mul3A_48 = arith.constant 626 : i32
    %mul3A_49 = arith.muli %arg1, %mul3A_48 : i32
    "tpu.region"() ({
      %run_scoped3A_50 = tpu.sem_alloc : memref<!tpu.dma_semaphore, #tpu.memory_space<semaphore_mem>>
      %dma_start3A_51 = arith.constant 0 : i32
      %dma_start3A_52 = tpu.memref_slice %arg4[%arg0, %mul3A_49, %dma_start3A_51] : memref<2x10016x16xf32, #tpu.memory_space<hbm>> -> memref<1x626x16xf32, #tpu.memory_space<hbm>>
      %dma_start3A_53 = tpu.memref_squeeze %dma_start3A_52 : memref<1x626x16xf32, #tpu.memory_space<hbm>> -> memref<626x16xf32, #tpu.memory_space<hbm>>
      %dma_start3A_54 = arith.constant 0 : i32
      %dma_start3A_55 = tpu.memref_slice %arg10[%mul3A_49, %dma_start3A_54] : memref<10016x16xf32, #tpu.memory_space<vmem_shared>> -> memref<626x16xf32, #tpu.memory_space<vmem_shared>>
      tpu.enqueue_dma source(%dma_start3A_55 : memref<626x16xf32, #tpu.memory_space<vmem_shared>>) target(%dma_start3A_53 : memref<626x16xf32, #tpu.memory_space<hbm>>) target_semaphore(%run_scoped3A_50 : memref<!tpu.dma_semaphore, #tpu.memory_space<semaphore_mem>>)
      %dma_wait3A_56 = arith.constant 0 : i32
      %dma_wait3A_57 = tpu.memref_slice %arg4[%arg0, %mul3A_49, %dma_wait3A_56] : memref<2x10016x16xf32, #tpu.memory_space<hbm>> -> memref<1x626x16xf32, #tpu.memory_space<hbm>>
      %dma_wait3A_58 = tpu.memref_squeeze %dma_wait3A_57 : memref<1x626x16xf32, #tpu.memory_space<hbm>> -> memref<626x16xf32, #tpu.memory_space<hbm>>
      %dma_wait3A_59 = arith.constant 0 : i32
      %dma_wait3A_60 = tpu.memref_slice %arg10[%mul3A_49, %dma_wait3A_59] : memref<10016x16xf32, #tpu.memory_space<vmem_shared>> -> memref<626x16xf32, #tpu.memory_space<vmem_shared>>
      tpu.wait_dma2 semaphore(%run_scoped3A_50 : memref<!tpu.dma_semaphore, #tpu.memory_space<semaphore_mem>>) src(%dma_wait3A_60 : memref<626x16xf32, #tpu.memory_space<vmem_shared>>) dst(%dma_wait3A_58 : memref<626x16xf32, #tpu.memory_space<hbm>>)
      tpu.yield
    }) : () -> ()
    "tpu.region"() ({
      %run_scoped3A_50 = tpu.sem_alloc : memref<!tpu.dma_semaphore, #tpu.memory_space<semaphore_mem>>
      %dma_start3A_51 = arith.constant 0 : i32
      %dma_start3A_52 = tpu.memref_slice %arg5[%arg0, %mul3A_49, %dma_start3A_51] : memref<2x10016x16xf32, #tpu.memory_space<hbm>> -> memref<1x626x16xf32, #tpu.memory_space<hbm>>
      %dma_start3A_53 = tpu.memref_squeeze %dma_start3A_52 : memref<1x626x16xf32, #tpu.memory_space<hbm>> -> memref<626x16xf32, #tpu.memory_space<hbm>>
      %dma_start3A_54 = arith.constant 0 : i32
      %dma_start3A_55 = tpu.memref_slice %arg11[%mul3A_49, %dma_start3A_54] : memref<10016x16xf32, #tpu.memory_space<vmem_shared>> -> memref<626x16xf32, #tpu.memory_space<vmem_shared>>
      tpu.enqueue_dma source(%dma_start3A_55 : memref<626x16xf32, #tpu.memory_space<vmem_shared>>) target(%dma_start3A_53 : memref<626x16xf32, #tpu.memory_space<hbm>>) target_semaphore(%run_scoped3A_50 : memref<!tpu.dma_semaphore, #tpu.memory_space<semaphore_mem>>)
      %dma_wait3A_56 = arith.constant 0 : i32
      %dma_wait3A_57 = tpu.memref_slice %arg5[%arg0, %mul3A_49, %dma_wait3A_56] : memref<2x10016x16xf32, #tpu.memory_space<hbm>> -> memref<1x626x16xf32, #tpu.memory_space<hbm>>
      %dma_wait3A_58 = tpu.memref_squeeze %dma_wait3A_57 : memref<1x626x16xf32, #tpu.memory_space<hbm>> -> memref<626x16xf32, #tpu.memory_space<hbm>>
      %dma_wait3A_59 = arith.constant 0 : i32
      %dma_wait3A_60 = tpu.memref_slice %arg11[%mul3A_49, %dma_wait3A_59] : memref<10016x16xf32, #tpu.memory_space<vmem_shared>> -> memref<626x16xf32, #tpu.memory_space<vmem_shared>>
      tpu.wait_dma2 semaphore(%run_scoped3A_50 : memref<!tpu.dma_semaphore, #tpu.memory_space<semaphore_mem>>) src(%dma_wait3A_60 : memref<626x16xf32, #tpu.memory_space<vmem_shared>>) dst(%dma_wait3A_58 : memref<626x16xf32, #tpu.memory_space<hbm>>)
      tpu.yield
    }) : () -> ()
    return
  }
}

#map = affine_map<(d0, d1) -> (0, 0)>
#map1 = affine_map<(d0, d1) -> (0, 0, 0)>
module attributes {stable_mosaic.version = 14 : i64} {
  func.func @_scatter_nocnt(%arg0: i32, %arg1: i32, %arg2: memref<163840x16xf32, #tpu.memory_space<hbm>>, %arg3: memref<2x1280x128xi32, #tpu.memory_space<hbm>>, %arg4: memref<2x10016x16xf32, #tpu.memory_space<hbm>>, %arg5: memref<40x128xi32, #tpu.memory_space<vmem>>, %arg6: memref<5120x16xf32, #tpu.memory_space<vmem>>, %arg7: memref<128x16xf32, #tpu.memory_space<vmem>>, %arg8: memref<626x16xf32, #tpu.memory_space<vmem>>, %arg9: memref<10016x16xf32, #tpu.memory_space<vmem_shared>>, %arg10: memref<10016x16xf32, #tpu.memory_space<vmem_shared>>, %arg11: memref<!tpu.dma_semaphore, #tpu.memory_space<semaphore_mem>>, %arg12: memref<!tpu.dma_semaphore, #tpu.memory_space<semaphore_mem>>, %arg13: memref<!tpu.dma_semaphore, #tpu.memory_space<semaphore_mem>>) attributes {dimension_semantics = [#tpu.dimension_semantics<core_parallel>, #tpu.dimension_semantics<subcore_parallel>], iteration_bounds = array<i64: 2, 16>, scalar_prefetch = 0 : i64, scratch_operands = 9 : i64, tpu.core_type = #tpu.core_type<sc_vector_subcore>, window_params = [{transform_indices = #map}, {transform_indices = #map1}, {transform_indices = #map1}]} {
    %mul3A = arith.constant 16 : i32
    %mul3A_0 = arith.muli %arg0, %mul3A : i32
    %add3A = arith.addi %mul3A_0, %arg1 : i32
    %scan3A = arith.constant 0 : i32
    %scan3A_1 = arith.constant 0 : i32
    %scan3A_2 = arith.constant 626 : i32
    %scan3A_3 = arith.addi %scan3A_1, %scan3A_2 : i32
    %scan3A_4 = arith.constant 1 : i32
    %scan3A_5 = scf.for %scan3A_35 = %scan3A_1 to %scan3A_3 step %scan3A_4 iter_args(%scan3A_36 = %scan3A) -> (i32)  : i32 {
      %broadcast_in_dim3A = arith.constant 0.000000e+00 : f32
      %broadcast_in_dim3A_37 = vector.broadcast %broadcast_in_dim3A : f32 to vector<16xf32>
      %swap3A = arith.index_cast %scan3A_35 : i32 to index
      %swap3A_38 = arith.constant 0 : index
      %swap3A_39 = tpu.vector_load %arg8[%swap3A, %swap3A_38] {strides = array<i32>} : memref<626x16xf32, #tpu.memory_space<vmem>>, vector<1x16xf32>,
      %swap3A_40 = vector.shape_cast %swap3A_39 : vector<1x16xf32> to vector<16xf32>
      %swap3A_41 = vector.shape_cast %broadcast_in_dim3A_37 : vector<16xf32> to vector<1x16xf32>
      tpu.vector_store %arg8[%swap3A, %swap3A_38], %swap3A_41 {strides = array<i32>} : memref<626x16xf32, #tpu.memory_space<vmem>>, vector<1x16xf32>,
      %scan3A_42 = arith.constant 0 : i32
      scf.yield %scan3A_42 : i32
    }
    %scan3A_6 = arith.constant 626 : i32
    %mul3A_7 = arith.constant 626 : i32
    %mul3A_8 = arith.muli %arg1, %mul3A_7 : i32
    "tpu.region"() ({
      %run_scoped3A_35 = tpu.sem_alloc : memref<!tpu.dma_semaphore, #tpu.memory_space<semaphore_mem>>
      %dma_start3A_36 = arith.constant 0 : i32
      %dma_start3A_37 = tpu.memref_slice %arg9[%mul3A_8, %dma_start3A_36] : memref<10016x16xf32, #tpu.memory_space<vmem_shared>> -> memref<626x16xf32, #tpu.memory_space<vmem_shared>>
      %dma_start3A_38 = arith.constant 0 : i32
      %dma_start3A_39 = tpu.memref_slice %arg9[%mul3A_8, %dma_start3A_38] : memref<10016x16xf32, #tpu.memory_space<vmem_shared>> -> memref<626x16xf32, #tpu.memory_space<vmem_shared>>
      tpu.enqueue_dma source(%arg8 : memref<626x16xf32, #tpu.memory_space<vmem>>) target(%dma_start3A_39 : memref<626x16xf32, #tpu.memory_space<vmem_shared>>) target_semaphore(%run_scoped3A_35 : memref<!tpu.dma_semaphore, #tpu.memory_space<semaphore_mem>>)
      %dma_wait3A_40 = arith.constant 0 : i32
      %dma_wait3A_41 = tpu.memref_slice %arg9[%mul3A_8, %dma_wait3A_40] : memref<10016x16xf32, #tpu.memory_space<vmem_shared>> -> memref<626x16xf32, #tpu.memory_space<vmem_shared>>
      %dma_wait3A_42 = arith.constant 0 : i32
      %dma_wait3A_43 = tpu.memref_slice %arg9[%mul3A_8, %dma_wait3A_42] : memref<10016x16xf32, #tpu.memory_space<vmem_shared>> -> memref<626x16xf32, #tpu.memory_space<vmem_shared>>
      tpu.wait_dma2 semaphore(%run_scoped3A_35 : memref<!tpu.dma_semaphore, #tpu.memory_space<semaphore_mem>>) src(%arg8 : memref<626x16xf32, #tpu.memory_space<vmem>>) dst(%dma_wait3A_43 : memref<626x16xf32, #tpu.memory_space<vmem_shared>>)
      tpu.yield
    }) : () -> ()
    %mul3A_9 = arith.constant 40 : i32
    %mul3A_10 = arith.muli %add3A, %mul3A_9 : i32
    %run_scoped3A = arith.constant 1 : i32
    "tpu.region"() ({
      %run_scoped3A_35 = tpu.sem_alloc : memref<!tpu.dma_semaphore, #tpu.memory_space<semaphore_mem>>
      %dma_start3A_36 = arith.constant 0 : i32
      %dma_start3A_37 = tpu.memref_slice %arg3[%run_scoped3A, %mul3A_10, %dma_start3A_36] : memref<2x1280x128xi32, #tpu.memory_space<hbm>> -> memref<1x40x128xi32, #tpu.memory_space<hbm>>
      %dma_start3A_38 = tpu.memref_squeeze %dma_start3A_37 : memref<1x40x128xi32, #tpu.memory_space<hbm>> -> memref<40x128xi32, #tpu.memory_space<hbm>>
      %dma_start3A_39 = arith.constant 0 : i32
      %dma_start3A_40 = tpu.memref_slice %arg3[%run_scoped3A, %mul3A_10, %dma_start3A_39] : memref<2x1280x128xi32, #tpu.memory_space<hbm>> -> memref<1x40x128xi32, #tpu.memory_space<hbm>>
      %dma_start3A_41 = tpu.memref_squeeze %dma_start3A_40 : memref<1x40x128xi32, #tpu.memory_space<hbm>> -> memref<40x128xi32, #tpu.memory_space<hbm>>
      tpu.enqueue_dma source(%dma_start3A_41 : memref<40x128xi32, #tpu.memory_space<hbm>>) target(%arg5 : memref<40x128xi32, #tpu.memory_space<vmem>>) target_semaphore(%run_scoped3A_35 : memref<!tpu.dma_semaphore, #tpu.memory_space<semaphore_mem>>)
      %dma_wait3A_42 = arith.constant 0 : i32
      %dma_wait3A_43 = tpu.memref_slice %arg3[%run_scoped3A, %mul3A_10, %dma_wait3A_42] : memref<2x1280x128xi32, #tpu.memory_space<hbm>> -> memref<1x40x128xi32, #tpu.memory_space<hbm>>
      %dma_wait3A_44 = tpu.memref_squeeze %dma_wait3A_43 : memref<1x40x128xi32, #tpu.memory_space<hbm>> -> memref<40x128xi32, #tpu.memory_space<hbm>>
      %dma_wait3A_45 = arith.constant 0 : i32
      %dma_wait3A_46 = tpu.memref_slice %arg3[%run_scoped3A, %mul3A_10, %dma_wait3A_45] : memref<2x1280x128xi32, #tpu.memory_space<hbm>> -> memref<1x40x128xi32, #tpu.memory_space<hbm>>
      %dma_wait3A_47 = tpu.memref_squeeze %dma_wait3A_46 : memref<1x40x128xi32, #tpu.memory_space<hbm>> -> memref<40x128xi32, #tpu.memory_space<hbm>>
      tpu.wait_dma2 semaphore(%run_scoped3A_35 : memref<!tpu.dma_semaphore, #tpu.memory_space<semaphore_mem>>) src(%dma_wait3A_47 : memref<40x128xi32, #tpu.memory_space<hbm>>) dst(%arg5 : memref<40x128xi32, #tpu.memory_space<vmem>>)
      tpu.yield
    }) : () -> ()
    %mul3A_11 = arith.constant 5120 : i32
    %mul3A_12 = arith.muli %add3A, %mul3A_11 : i32
    %dma_start3A = arith.constant 0 : i32
    %dma_start3A_13 = tpu.memref_slice %arg2[%mul3A_12, %dma_start3A] : memref<163840x16xf32, #tpu.memory_space<hbm>> -> memref<5120x16xf32, #tpu.memory_space<hbm>>
    %dma_start3A_14 = arith.constant 0 : i32
    %dma_start3A_15 = tpu.memref_slice %arg2[%mul3A_12, %dma_start3A_14] : memref<163840x16xf32, #tpu.memory_space<hbm>> -> memref<5120x16xf32, #tpu.memory_space<hbm>>
    tpu.enqueue_dma source(%dma_start3A_15 : memref<5120x16xf32, #tpu.memory_space<hbm>>) target(%arg6 : memref<5120x16xf32, #tpu.memory_space<vmem>>) target_semaphore(%arg11 : memref<!tpu.dma_semaphore, #tpu.memory_space<semaphore_mem>>)
    %dma_wait3A = arith.constant 0 : i32
    %dma_wait3A_16 = tpu.memref_slice %arg2[%mul3A_12, %dma_wait3A] : memref<163840x16xf32, #tpu.memory_space<hbm>> -> memref<5120x16xf32, #tpu.memory_space<hbm>>
    %dma_wait3A_17 = arith.constant 0 : i32
    %dma_wait3A_18 = tpu.memref_slice %arg2[%mul3A_12, %dma_wait3A_17] : memref<163840x16xf32, #tpu.memory_space<hbm>> -> memref<5120x16xf32, #tpu.memory_space<hbm>>
    tpu.wait_dma2 semaphore(%arg11 : memref<!tpu.dma_semaphore, #tpu.memory_space<semaphore_mem>>) src(%dma_wait3A_18 : memref<5120x16xf32, #tpu.memory_space<hbm>>) dst(%arg6 : memref<5120x16xf32, #tpu.memory_space<vmem>>)
    %barrier3A = arith.constant 0 : index
    tpu.barrier barrier_id(%barrier3A)
    %scan3A_19 = arith.constant 0 : i32
    %scan3A_20 = arith.constant 0 : i32
    %scan3A_21 = arith.constant 40 : i32
    %scan3A_22 = arith.addi %scan3A_20, %scan3A_21 : i32
    %scan3A_23 = arith.constant 1 : i32
    %scan3A_24 = scf.for %scan3A_35 = %scan3A_20 to %scan3A_22 step %scan3A_23 iter_args(%scan3A_36 = %scan3A_19) -> (i32)  : i32 {
      %mul3A_37 = arith.constant 128 : i32
      %mul3A_38 = arith.muli %scan3A_35, %mul3A_37 : i32
      %dma_start3A_39 = arith.constant 0 : i32
      %dma_start3A_40 = tpu.memref_slice %arg6[%mul3A_38, %dma_start3A_39] : memref<5120x16xf32, #tpu.memory_space<vmem>> -> memref<128x16xf32, #tpu.memory_space<vmem>>
      %dma_start3A_41 = arith.constant 0 : i32
      %dma_start3A_42 = tpu.memref_slice %arg5[%scan3A_35, %dma_start3A_41] : memref<40x128xi32, #tpu.memory_space<vmem>> -> memref<1x128xi32, #tpu.memory_space<vmem>>
      %dma_start3A_43 = tpu.memref_squeeze %dma_start3A_42 : memref<1x128xi32, #tpu.memory_space<vmem>> -> memref<128xi32, #tpu.memory_space<vmem>>
      %dma_start3A_44 = arith.constant 0 : i32
      %dma_start3A_45 = arith.constant 0 : i32
      %dma_start3A_46 = tpu.memref_slice %arg9[%dma_start3A_44, %dma_start3A_45] : memref<10016x16xf32, #tpu.memory_space<vmem_shared>> -> memref<10016x16xf32, #tpu.memory_space<vmem_shared>>
      tpu.enqueue_indirect_dma source(%dma_start3A_40 : memref<128x16xf32, #tpu.memory_space<vmem>>) target(%dma_start3A_46 : memref<10016x16xf32, #tpu.memory_space<vmem_shared>>) offsets(%dma_start3A_43 : memref<128xi32, #tpu.memory_space<vmem>>) semaphore(%arg12 : memref<!tpu.dma_semaphore, #tpu.memory_space<semaphore_mem>>) {add = true}
      %scan3A_47 = arith.constant 0 : i32
      scf.yield %scan3A_47 : i32
    }
    %scan3A_25 = arith.constant 40 : i32
    %dma_wait3A_26 = arith.constant 0 : i32
    %dma_wait3A_27 = arith.constant 0 : i32
    %dma_wait3A_28 = tpu.memref_slice %arg2[%dma_wait3A_26, %dma_wait3A_27] : memref<163840x16xf32, #tpu.memory_space<hbm>> -> memref<5120x16xf32, #tpu.memory_space<hbm>>
    %dma_wait3A_29 = arith.constant 0 : i32
    %dma_wait3A_30 = arith.constant 0 : i32
    %dma_wait3A_31 = tpu.memref_slice %arg2[%dma_wait3A_29, %dma_wait3A_30] : memref<163840x16xf32, #tpu.memory_space<hbm>> -> memref<5120x16xf32, #tpu.memory_space<hbm>>
    tpu.wait_dma2 semaphore(%arg12 : memref<!tpu.dma_semaphore, #tpu.memory_space<semaphore_mem>>) src(%dma_wait3A_31 : memref<5120x16xf32, #tpu.memory_space<hbm>>) dst(%arg6 : memref<5120x16xf32, #tpu.memory_space<vmem>>)
    %barrier3A_32 = arith.constant 0 : index
    tpu.barrier barrier_id(%barrier3A_32)
    %mul3A_33 = arith.constant 626 : i32
    %mul3A_34 = arith.muli %arg1, %mul3A_33 : i32
    "tpu.region"() ({
      %run_scoped3A_35 = tpu.sem_alloc : memref<!tpu.dma_semaphore, #tpu.memory_space<semaphore_mem>>
      %dma_start3A_36 = arith.constant 0 : i32
      %dma_start3A_37 = tpu.memref_slice %arg4[%arg0, %mul3A_34, %dma_start3A_36] : memref<2x10016x16xf32, #tpu.memory_space<hbm>> -> memref<1x626x16xf32, #tpu.memory_space<hbm>>
      %dma_start3A_38 = tpu.memref_squeeze %dma_start3A_37 : memref<1x626x16xf32, #tpu.memory_space<hbm>> -> memref<626x16xf32, #tpu.memory_space<hbm>>
      %dma_start3A_39 = arith.constant 0 : i32
      %dma_start3A_40 = tpu.memref_slice %arg9[%mul3A_34, %dma_start3A_39] : memref<10016x16xf32, #tpu.memory_space<vmem_shared>> -> memref<626x16xf32, #tpu.memory_space<vmem_shared>>
      tpu.enqueue_dma source(%dma_start3A_40 : memref<626x16xf32, #tpu.memory_space<vmem_shared>>) target(%dma_start3A_38 : memref<626x16xf32, #tpu.memory_space<hbm>>) target_semaphore(%run_scoped3A_35 : memref<!tpu.dma_semaphore, #tpu.memory_space<semaphore_mem>>)
      %dma_wait3A_41 = arith.constant 0 : i32
      %dma_wait3A_42 = tpu.memref_slice %arg4[%arg0, %mul3A_34, %dma_wait3A_41] : memref<2x10016x16xf32, #tpu.memory_space<hbm>> -> memref<1x626x16xf32, #tpu.memory_space<hbm>>
      %dma_wait3A_43 = tpu.memref_squeeze %dma_wait3A_42 : memref<1x626x16xf32, #tpu.memory_space<hbm>> -> memref<626x16xf32, #tpu.memory_space<hbm>>
      %dma_wait3A_44 = arith.constant 0 : i32
      %dma_wait3A_45 = tpu.memref_slice %arg9[%mul3A_34, %dma_wait3A_44] : memref<10016x16xf32, #tpu.memory_space<vmem_shared>> -> memref<626x16xf32, #tpu.memory_space<vmem_shared>>
      tpu.wait_dma2 semaphore(%run_scoped3A_35 : memref<!tpu.dma_semaphore, #tpu.memory_space<semaphore_mem>>) src(%dma_wait3A_45 : memref<626x16xf32, #tpu.memory_space<vmem_shared>>) dst(%dma_wait3A_43 : memref<626x16xf32, #tpu.memory_space<hbm>>)
      tpu.yield
    }) : () -> ()
    return
  }
}

module attributes {stable_mosaic.version = 14 : i64} {
  func.func @_node_body(%arg0: memref<1252x1024xf32, #tpu.memory_space<vmem>>, %arg1: memref<1024x128xf32, #tpu.memory_space<vmem>>, %arg2: memref<1x128xf32, #tpu.memory_space<vmem>>, %arg3: memref<1x128xf32, #tpu.memory_space<vmem>>, %arg4: memref<1x128xf32, #tpu.memory_space<vmem>>, %arg5: memref<1252x128xf32, #tpu.memory_space<vmem>>) attributes {dimension_semantics = [], scalar_prefetch = 0 : i64, scratch_operands = 0 : i64, tpu.core_type = #tpu.core_type<tc>} {
    %get3A = arith.constant 0 : index
    %get3A_0 = arith.constant 0 : index
    %get3A_1 = vector.load %arg0[%get3A, %get3A_0] : memref<1252x1024xf32, #tpu.memory_space<vmem>>, vector<1252x1024xf32>
    %get3A_2 = arith.constant 0 : index
    %get3A_3 = arith.constant 0 : index
    %get3A_4 = vector.load %arg1[%get3A_2, %get3A_3] : memref<1024x128xf32, #tpu.memory_space<vmem>>, vector<1024x128xf32>
    %dot_general3A = arith.constant dense<0.000000e+00> : vector<1252x128xf32>
    %dot_general3A_5 = tpu.matmul %get3A_1, %get3A_4, %dot_general3A {dimension_numbers = #tpu.dot_dimension_numbers<[1], [0], [0], [1], [0, 0, 1, 1], [], []>, transpose_lhs_hint = false} : vector<1252x1024xf32>, vector<1024x128xf32>, vector<1252x128xf32> -> vector<1252x128xf32>
    %get3A_6 = arith.constant 0 : index
    %get3A_7 = arith.constant 0 : index
    %get3A_8 = vector.load %arg2[%get3A_6, %get3A_7] : memref<1x128xf32, #tpu.memory_space<vmem>>, vector<1x128xf32>
    %add3A = vector.broadcast %get3A_8 : vector<1x128xf32> to vector<1252x128xf32>
    %add3A_9 = arith.addf %dot_general3A_5, %add3A : vector<1252x128xf32>
    %max3A = arith.constant 0.000000e+00 : f32
    %max3A_10 = vector.broadcast %max3A : f32 to vector<1252x128xf32>
    %max3A_11 = arith.maximumf %add3A_9, %max3A_10 : vector<1252x128xf32>
    %iota3A = tpu.iota {dimensions = array<i32: 0>} : vector<1252x128xi32>
    %lt3A = arith.constant 1250 : i32
    %lt3A_12 = vector.broadcast %lt3A : i32 to vector<1252x128xi32>
    %lt3A_13 = arith.cmpi slt, %iota3A, %lt3A_12 : vector<1252x128xi32>
    %jit3A = arith.constant 0.000000e+00 : f32
    %broadcast_in_dim3A = vector.broadcast %jit3A : f32 to vector<1252x128xf32>
    %select_n3A = arith.select %lt3A_13, %max3A_11, %broadcast_in_dim3A : vector<1252x128xi1>, vector<1252x128xf32>
    %reduce_sum3A = arith.constant dense<0.000000e+00> : vector<128xf32>
    %reduce_sum3A_14 = vector.multi_reduction <add>, %select_n3A, %reduce_sum3A [0] : vector<1252x128xf32> to vector<128xf32>
    %broadcast_in_dim3A_15 = vector.shape_cast %reduce_sum3A_14 : vector<128xf32> to vector<1x128xf32>
    %slice3A = vector.extract_strided_slice %broadcast_in_dim3A_15 {offsets = [0, 0], sizes = [1, 64], strides = [1, 1]} : vector<1x128xf32> to vector<1x64xf32>
    %slice3A_16 = vector.extract_strided_slice %broadcast_in_dim3A_15 {offsets = [0, 64], sizes = [1, 64], strides = [1, 1]} : vector<1x128xf32> to vector<1x64xf32>
    %add3A_17 = arith.addf %slice3A, %slice3A_16 : vector<1x64xf32>
    %slice3A_18 = vector.extract_strided_slice %add3A_17 {offsets = [0, 0], sizes = [1, 32], strides = [1, 1]} : vector<1x64xf32> to vector<1x32xf32>
    %slice3A_19 = vector.extract_strided_slice %add3A_17 {offsets = [0, 32], sizes = [1, 32], strides = [1, 1]} : vector<1x64xf32> to vector<1x32xf32>
    %add3A_20 = arith.addf %slice3A_18, %slice3A_19 : vector<1x32xf32>
    %slice3A_21 = vector.extract_strided_slice %add3A_20 {offsets = [0, 0], sizes = [1, 16], strides = [1, 1]} : vector<1x32xf32> to vector<1x16xf32>
    %slice3A_22 = vector.extract_strided_slice %add3A_20 {offsets = [0, 16], sizes = [1, 16], strides = [1, 1]} : vector<1x32xf32> to vector<1x16xf32>
    %add3A_23 = arith.addf %slice3A_21, %slice3A_22 : vector<1x16xf32>
    %div3A = arith.constant 1.000000e+04 : f32
    %div3A_24 = vector.broadcast %div3A : f32 to vector<1x16xf32>
    %div3A_25 = arith.divf %add3A_23, %div3A_24 : vector<1x16xf32>
    %concatenate3A = tpu.concatenate %div3A_25, %div3A_25, %div3A_25, %div3A_25, %div3A_25, %div3A_25, %div3A_25, %div3A_25 in 1 : vector<1x16xf32>, vector<1x16xf32>, vector<1x16xf32>, vector<1x16xf32>, vector<1x16xf32>, vector<1x16xf32>, vector<1x16xf32>, vector<1x16xf32> -> vector<1x128xf32>
    %sub3A = vector.broadcast %concatenate3A : vector<1x128xf32> to vector<1252x128xf32>
    %sub3A_26 = arith.subf %max3A_11, %sub3A : vector<1252x128xf32>
    %integer_pow3A = arith.mulf %sub3A_26, %sub3A_26 : vector<1252x128xf32>
    %jit3A_27 = arith.constant 0.000000e+00 : f32
    %broadcast_in_dim3A_28 = vector.broadcast %jit3A_27 : f32 to vector<1252x128xf32>
    %select_n3A_29 = arith.select %lt3A_13, %integer_pow3A, %broadcast_in_dim3A_28 : vector<1252x128xi1>, vector<1252x128xf32>
    %reduce_sum3A_30 = arith.constant dense<0.000000e+00> : vector<128xf32>
    %reduce_sum3A_31 = vector.multi_reduction <add>, %select_n3A_29, %reduce_sum3A_30 [0] : vector<1252x128xf32> to vector<128xf32>
    %broadcast_in_dim3A_32 = vector.shape_cast %reduce_sum3A_31 : vector<128xf32> to vector<1x128xf32>
    %slice3A_33 = vector.extract_strided_slice %broadcast_in_dim3A_32 {offsets = [0, 0], sizes = [1, 64], strides = [1, 1]} : vector<1x128xf32> to vector<1x64xf32>
    %slice3A_34 = vector.extract_strided_slice %broadcast_in_dim3A_32 {offsets = [0, 64], sizes = [1, 64], strides = [1, 1]} : vector<1x128xf32> to vector<1x64xf32>
    %add3A_35 = arith.addf %slice3A_33, %slice3A_34 : vector<1x64xf32>
    %slice3A_36 = vector.extract_strided_slice %add3A_35 {offsets = [0, 0], sizes = [1, 32], strides = [1, 1]} : vector<1x64xf32> to vector<1x32xf32>
    %slice3A_37 = vector.extract_strided_slice %add3A_35 {offsets = [0, 32], sizes = [1, 32], strides = [1, 1]} : vector<1x64xf32> to vector<1x32xf32>
    %add3A_38 = arith.addf %slice3A_36, %slice3A_37 : vector<1x32xf32>
    %slice3A_39 = vector.extract_strided_slice %add3A_38 {offsets = [0, 0], sizes = [1, 16], strides = [1, 1]} : vector<1x32xf32> to vector<1x16xf32>
    %slice3A_40 = vector.extract_strided_slice %add3A_38 {offsets = [0, 16], sizes = [1, 16], strides = [1, 1]} : vector<1x32xf32> to vector<1x16xf32>
    %add3A_41 = arith.addf %slice3A_39, %slice3A_40 : vector<1x16xf32>
    %div3A_42 = arith.constant 1.000000e+04 : f32
    %div3A_43 = vector.broadcast %div3A_42 : f32 to vector<1x16xf32>
    %div3A_44 = arith.divf %add3A_41, %div3A_43 : vector<1x16xf32>
    %concatenate3A_45 = tpu.concatenate %div3A_44, %div3A_44, %div3A_44, %div3A_44, %div3A_44, %div3A_44, %div3A_44, %div3A_44 in 1 : vector<1x16xf32>, vector<1x16xf32>, vector<1x16xf32>, vector<1x16xf32>, vector<1x16xf32>, vector<1x16xf32>, vector<1x16xf32>, vector<1x16xf32> -> vector<1x128xf32>
    %get3A_46 = arith.constant 0 : index
    %get3A_47 = arith.constant 0 : index
    %get3A_48 = vector.load %arg3[%get3A_46, %get3A_47] : memref<1x128xf32, #tpu.memory_space<vmem>>, vector<1x128xf32>
    %sub3A_49 = vector.broadcast %concatenate3A : vector<1x128xf32> to vector<1252x128xf32>
    %sub3A_50 = arith.subf %max3A_11, %sub3A_49 : vector<1252x128xf32>
    %mul3A = vector.broadcast %get3A_48 : vector<1x128xf32> to vector<1252x128xf32>
    %mul3A_51 = arith.mulf %mul3A, %sub3A_50 : vector<1252x128xf32>
    %add3A_52 = arith.constant 9.99999974E-6 : f32
    %add3A_53 = vector.broadcast %add3A_52 : f32 to vector<1x128xf32>
    %add3A_54 = arith.addf %concatenate3A_45, %add3A_53 : vector<1x128xf32>
    %rsqrt3A = math.rsqrt %add3A_54 : vector<1x128xf32>
    %mul3A_55 = vector.broadcast %rsqrt3A : vector<1x128xf32> to vector<1252x128xf32>
    %mul3A_56 = arith.mulf %mul3A_51, %mul3A_55 : vector<1252x128xf32>
    %get3A_57 = arith.constant 0 : index
    %get3A_58 = arith.constant 0 : index
    %get3A_59 = vector.load %arg4[%get3A_57, %get3A_58] : memref<1x128xf32, #tpu.memory_space<vmem>>, vector<1x128xf32>
    %add3A_60 = vector.broadcast %get3A_59 : vector<1x128xf32> to vector<1252x128xf32>
    %add3A_61 = arith.addf %mul3A_56, %add3A_60 : vector<1252x128xf32>
    %jit3A_62 = arith.constant 0.000000e+00 : f32
    %broadcast_in_dim3A_63 = vector.broadcast %jit3A_62 : f32 to vector<1252x128xf32>
    %select_n3A_64 = arith.select %lt3A_13, %add3A_61, %broadcast_in_dim3A_63 : vector<1252x128xi1>, vector<1252x128xf32>
    %swap3A = arith.constant 0 : index
    %swap3A_65 = arith.constant 0 : index
    %swap3A_66 = vector.load %arg5[%swap3A, %swap3A_65] : memref<1252x128xf32, #tpu.memory_space<vmem>>, vector<1252x128xf32>
    tpu.vector_store %arg5[%swap3A, %swap3A_65], %select_n3A_64 {strides = array<i32>} : memref<1252x128xf32, #tpu.memory_space<vmem>>, vector<1252x128xf32>,
    return
  }
}

module attributes {stable_mosaic.version = 14 : i64} {
  func.func @_stats_body(%arg0: i32, %arg1: memref<2000x128xf32, #tpu.memory_space<vmem>>, %arg2: memref<128x256xf32, #tpu.memory_space<vmem>>, %arg3: memref<1x256xf32, #tpu.memory_space<vmem>>, %arg4: memref<8x256xf32, #tpu.memory_space<vmem>>) attributes {dimension_semantics = [#tpu.dimension_semantics<arbitrary>], iteration_bounds = array<i64: 10>, scalar_prefetch = 0 : i64, scratch_operands = 0 : i64, tpu.core_type = #tpu.core_type<tc>, window_params = [{transform_indices = @transform_0, window_bounds = array<i64: 2000, 128>}, {pipeline_mode = #tpu.pipeline_mode<synchronous>, transform_indices = @transform_1, window_bounds = array<i64: 128, 256>}, {pipeline_mode = #tpu.pipeline_mode<synchronous>, transform_indices = @transform_2, window_bounds = array<i64: 1, 256>}, {pipeline_mode = #tpu.pipeline_mode<synchronous>, transform_indices = @transform_3, window_bounds = array<i64: 8, 256>}]} {
    %get3A = arith.constant 0 : index
    %get3A_0 = arith.constant 0 : index
    %get3A_1 = vector.load %arg1[%get3A, %get3A_0] : memref<2000x128xf32, #tpu.memory_space<vmem>>, vector<2000x128xf32>
    %get3A_2 = arith.constant 0 : index
    %get3A_3 = arith.constant 0 : index
    %get3A_4 = vector.load %arg2[%get3A_2, %get3A_3] : memref<128x256xf32, #tpu.memory_space<vmem>>, vector<128x256xf32>
    %dot_general3A = arith.constant dense<0.000000e+00> : vector<2000x256xf32>
    %dot_general3A_5 = tpu.matmul %get3A_1, %get3A_4, %dot_general3A {dimension_numbers = #tpu.dot_dimension_numbers<[1], [0], [0], [1], [0, 0, 1, 1], [], []>, transpose_lhs_hint = false} : vector<2000x128xf32>, vector<128x256xf32>, vector<2000x256xf32> -> vector<2000x256xf32>
    %get3A_6 = arith.constant 0 : index
    %get3A_7 = arith.constant 0 : index
    %get3A_8 = vector.load %arg3[%get3A_6, %get3A_7] : memref<1x256xf32, #tpu.memory_space<vmem>>, vector<1x256xf32>
    %add3A = vector.broadcast %get3A_8 : vector<1x256xf32> to vector<2000x256xf32>
    %add3A_9 = arith.addf %dot_general3A_5, %add3A : vector<2000x256xf32>
    %max3A = arith.constant 0.000000e+00 : f32
    %max3A_10 = vector.broadcast %max3A : f32 to vector<2000x256xf32>
    %max3A_11 = arith.maximumf %add3A_9, %max3A_10 : vector<2000x256xf32>
    %reduce_sum3A = arith.constant dense<0.000000e+00> : vector<256xf32>
    %reduce_sum3A_12 = vector.multi_reduction <add>, %max3A_11, %reduce_sum3A [0] : vector<2000x256xf32> to vector<256xf32>
    %broadcast_in_dim3A = vector.shape_cast %reduce_sum3A_12 : vector<256xf32> to vector<1x256xf32>
    %mul3A = arith.mulf %max3A_11, %max3A_11 : vector<2000x256xf32>
    %reduce_sum3A_13 = arith.constant dense<0.000000e+00> : vector<256xf32>
    %reduce_sum3A_14 = vector.multi_reduction <add>, %mul3A, %reduce_sum3A_13 [0] : vector<2000x256xf32> to vector<256xf32>
    %broadcast_in_dim3A_15 = vector.shape_cast %reduce_sum3A_14 : vector<256xf32> to vector<1x256xf32>
    %broadcast_in_dim3A_16 = arith.constant 0.000000e+00 : f32
    %broadcast_in_dim3A_17 = vector.broadcast %broadcast_in_dim3A_16 : f32 to vector<6x256xf32>
    %concatenate3A = tpu.concatenate %broadcast_in_dim3A, %broadcast_in_dim3A_15, %broadcast_in_dim3A_17 in 0 : vector<1x256xf32>, vector<1x256xf32>, vector<6x256xf32> -> vector<8x256xf32>
    %eq3A = arith.constant 0 : i32
    %eq3A_18 = arith.cmpi eq, %arg0, %eq3A : i32
    %convert_element_type3A = arith.extui %eq3A_18 : i1 to i32
    %cond3A = arith.constant 0 : i32
    %cond3A_19 = arith.cmpi ne, %convert_element_type3A, %cond3A : i32
    scf.if %cond3A_19 {
      %swap3A = arith.constant 0 : index
      %swap3A_24 = arith.constant 0 : index
      %swap3A_25 = vector.load %arg4[%swap3A, %swap3A_24] : memref<8x256xf32, #tpu.memory_space<vmem>>, vector<8x256xf32>
      tpu.vector_store %arg4[%swap3A, %swap3A_24], %concatenate3A {strides = array<i32>} : memref<8x256xf32, #tpu.memory_space<vmem>>, vector<8x256xf32>,
    } else {
    }
    %gt3A = arith.constant 0 : i32
    %gt3A_20 = arith.cmpi sgt, %arg0, %gt3A : i32
    %convert_element_type3A_21 = arith.extui %gt3A_20 : i1 to i32
    %cond3A_22 = arith.constant 0 : i32
    %cond3A_23 = arith.cmpi ne, %convert_element_type3A_21, %cond3A_22 : i32
    scf.if %cond3A_23 {
      %get3A_24 = arith.constant 0 : index
      %get3A_25 = arith.constant 0 : index
      %get3A_26 = vector.load %arg4[%get3A_24, %get3A_25] : memref<8x256xf32, #tpu.memory_space<vmem>>, vector<8x256xf32>
      %add3A_27 = arith.addf %get3A_26, %concatenate3A : vector<8x256xf32>
      %swap3A = arith.constant 0 : index
      %swap3A_28 = arith.constant 0 : index
      %swap3A_29 = vector.load %arg4[%swap3A, %swap3A_28] : memref<8x256xf32, #tpu.memory_space<vmem>>, vector<8x256xf32>
      tpu.vector_store %arg4[%swap3A, %swap3A_28], %add3A_27 {strides = array<i32>} : memref<8x256xf32, #tpu.memory_space<vmem>>, vector<8x256xf32>,
    } else {
    }
    return
  }
  func.func @transform_0(%arg0: i32) -> (i32, i32) {
    %c0_i32 = arith.constant 0 : i32
    %c0_i32_0 = arith.constant 0 : i32
    return %arg0, %c0_i32 : i32, i32
  }
  func.func @transform_1(%arg0: i32) -> (i32, i32) {
    %c0_i32 = arith.constant 0 : i32
    %c0_i32_0 = arith.constant 0 : i32
    %c0_i32_1 = arith.constant 0 : i32
    return %c0_i32, %c0_i32_0 : i32, i32
  }
  func.func @transform_2(%arg0: i32) -> (i32, i32) {
    %c0_i32 = arith.constant 0 : i32
    %c0_i32_0 = arith.constant 0 : i32
    %c0_i32_1 = arith.constant 0 : i32
    return %c0_i32, %c0_i32_0 : i32, i32
  }
  func.func @transform_3(%arg0: i32) -> (i32, i32) {
    %c0_i32 = arith.constant 0 : i32
    %c0_i32_0 = arith.constant 0 : i32
    %c0_i32_1 = arith.constant 0 : i32
    return %c0_i32, %c0_i32_0 : i32, i32
  }
}

module attributes {stable_mosaic.version = 14 : i64} {
  func.func @_msg_body(%arg0: i32, %arg1: memref<1024x128xf32, #tpu.memory_space<vmem>>, %arg2: memref<1024x128xf32, #tpu.memory_space<vmem>>, %arg3: memref<128x256xf32, #tpu.memory_space<vmem>>, %arg4: memref<1x256xf32, #tpu.memory_space<vmem>>, %arg5: memref<256x2048xbf16, #tpu.memory_space<vmem>>, %arg6: memref<1x2048xf32, #tpu.memory_space<vmem>>, %arg7: memref<128x2048xbf16, #tpu.memory_space<vmem>>, %arg8: memref<1024x128xf32, #tpu.memory_space<vmem>>) attributes {dimension_semantics = [#tpu.dimension_semantics<arbitrary>], iteration_bounds = array<i64: 20>, scalar_prefetch = 0 : i64, scratch_operands = 0 : i64, tpu.core_type = #tpu.core_type<tc>, window_params = [{transform_indices = @transform_0, window_bounds = array<i64: 1024, 128>}, {transform_indices = @transform_1, window_bounds = array<i64: 1024, 128>}, {pipeline_mode = #tpu.pipeline_mode<synchronous>, transform_indices = @transform_2, window_bounds = array<i64: 128, 256>}, {pipeline_mode = #tpu.pipeline_mode<synchronous>, transform_indices = @transform_3, window_bounds = array<i64: 1, 256>}, {pipeline_mode = #tpu.pipeline_mode<synchronous>, transform_indices = @transform_4, window_bounds = array<i64: 256, 2048>}, {pipeline_mode = #tpu.pipeline_mode<synchronous>, transform_indices = @transform_5, window_bounds = array<i64: 1, 2048>}, {pipeline_mode = #tpu.pipeline_mode<synchronous>, transform_indices = @transform_6, window_bounds = array<i64: 128, 2048>}, {transform_indices = @transform_7, window_bounds = array<i64: 1024, 128>}]} {
    %get3A = arith.constant 0 : index
    %get3A_0 = arith.constant 0 : index
    %get3A_1 = vector.load %arg1[%get3A, %get3A_0] : memref<1024x128xf32, #tpu.memory_space<vmem>>, vector<1024x128xf32>
    %get3A_2 = arith.constant 0 : index
    %get3A_3 = arith.constant 0 : index
    %get3A_4 = vector.load %arg3[%get3A_2, %get3A_3] : memref<128x256xf32, #tpu.memory_space<vmem>>, vector<128x256xf32>
    %dot_general3A = arith.constant dense<0.000000e+00> : vector<1024x256xf32>
    %dot_general3A_5 = tpu.matmul %get3A_1, %get3A_4, %dot_general3A {dimension_numbers = #tpu.dot_dimension_numbers<[1], [0], [0], [1], [0, 0, 1, 1], [], []>, transpose_lhs_hint = false} : vector<1024x128xf32>, vector<128x256xf32>, vector<1024x256xf32> -> vector<1024x256xf32>
    %get3A_6 = arith.constant 0 : index
    %get3A_7 = arith.constant 0 : index
    %get3A_8 = vector.load %arg4[%get3A_6, %get3A_7] : memref<1x256xf32, #tpu.memory_space<vmem>>, vector<1x256xf32>
    %add3A = vector.broadcast %get3A_8 : vector<1x256xf32> to vector<1024x256xf32>
    %add3A_9 = arith.addf %dot_general3A_5, %add3A : vector<1024x256xf32>
    %max3A = arith.constant 0.000000e+00 : f32
    %max3A_10 = vector.broadcast %max3A : f32 to vector<1024x256xf32>
    %max3A_11 = arith.maximumf %add3A_9, %max3A_10 : vector<1024x256xf32>
    %convert_element_type3A = arith.truncf %max3A_11 : vector<1024x256xf32> to vector<1024x256xbf16>
    %get3A_12 = arith.constant 0 : index
    %get3A_13 = arith.constant 0 : index
    %get3A_14 = vector.load %arg5[%get3A_12, %get3A_13] : memref<256x2048xbf16, #tpu.memory_space<vmem>>, vector<256x2048xbf16>
    %dot_general3A_15 = arith.constant dense<0.000000e+00> : vector<1024x2048xf32>
    %dot_general3A_16 = tpu.matmul %convert_element_type3A, %get3A_14, %dot_general3A_15 {dimension_numbers = #tpu.dot_dimension_numbers<[1], [0], [0], [1], [0, 0, 1, 1], [], []>, transpose_lhs_hint = false} : vector<1024x256xbf16>, vector<256x2048xbf16>, vector<1024x2048xf32> -> vector<1024x2048xf32>
    %get3A_17 = arith.constant 0 : index
    %get3A_18 = arith.constant 0 : index
    %get3A_19 = vector.load %arg6[%get3A_17, %get3A_18] : memref<1x2048xf32, #tpu.memory_space<vmem>>, vector<1x2048xf32>
    %add3A_20 = vector.broadcast %get3A_19 : vector<1x2048xf32> to vector<1024x2048xf32>
    %add3A_21 = arith.addf %dot_general3A_16, %add3A_20 : vector<1024x2048xf32>
    %tanh3A = math.tanh %add3A_21 : vector<1024x2048xf32>
    %get3A_22 = arith.constant 0 : index
    %get3A_23 = arith.constant 0 : index
    %get3A_24 = vector.load %arg2[%get3A_22, %get3A_23] : memref<1024x128xf32, #tpu.memory_space<vmem>>, vector<1024x128xf32>
    %convert_element_type3A_25 = arith.truncf %get3A_24 : vector<1024x128xf32> to vector<1024x128xbf16>
    %get3A_26 = arith.constant 0 : index
    %get3A_27 = arith.constant 0 : index
    %get3A_28 = vector.load %arg7[%get3A_26, %get3A_27] : memref<128x2048xbf16, #tpu.memory_space<vmem>>, vector<128x2048xbf16>
    %dot_general3A_29 = arith.constant dense<0.000000e+00> : vector<1024x2048xf32>
    %dot_general3A_30 = tpu.matmul %convert_element_type3A_25, %get3A_28, %dot_general3A_29 {dimension_numbers = #tpu.dot_dimension_numbers<[1], [0], [0], [1], [0, 0, 1, 1], [], []>, transpose_lhs_hint = false} : vector<1024x128xbf16>, vector<128x2048xbf16>, vector<1024x2048xf32> -> vector<1024x2048xf32>
    %mul3A = arith.mulf %tanh3A, %dot_general3A_30 : vector<1024x2048xf32>
    %slice3A = vector.extract_strided_slice %mul3A {offsets = [0, 0], sizes = [1024, 1024], strides = [1, 1]} : vector<1024x2048xf32> to vector<1024x1024xf32>
    %slice3A_31 = vector.extract_strided_slice %mul3A {offsets = [0, 1024], sizes = [1024, 1024], strides = [1, 1]} : vector<1024x2048xf32> to vector<1024x1024xf32>
    %add3A_32 = arith.addf %slice3A, %slice3A_31 : vector<1024x1024xf32>
    %slice3A_33 = vector.extract_strided_slice %add3A_32 {offsets = [0, 0], sizes = [1024, 512], strides = [1, 1]} : vector<1024x1024xf32> to vector<1024x512xf32>
    %slice3A_34 = vector.extract_strided_slice %add3A_32 {offsets = [0, 512], sizes = [1024, 512], strides = [1, 1]} : vector<1024x1024xf32> to vector<1024x512xf32>
    %add3A_35 = arith.addf %slice3A_33, %slice3A_34 : vector<1024x512xf32>
    %slice3A_36 = vector.extract_strided_slice %add3A_35 {offsets = [0, 0], sizes = [1024, 256], strides = [1, 1]} : vector<1024x512xf32> to vector<1024x256xf32>
    %slice3A_37 = vector.extract_strided_slice %add3A_35 {offsets = [0, 256], sizes = [1024, 256], strides = [1, 1]} : vector<1024x512xf32> to vector<1024x256xf32>
    %add3A_38 = arith.addf %slice3A_36, %slice3A_37 : vector<1024x256xf32>
    %slice3A_39 = vector.extract_strided_slice %add3A_38 {offsets = [0, 0], sizes = [1024, 128], strides = [1, 1]} : vector<1024x256xf32> to vector<1024x128xf32>
    %slice3A_40 = vector.extract_strided_slice %add3A_38 {offsets = [0, 128], sizes = [1024, 128], strides = [1, 1]} : vector<1024x256xf32> to vector<1024x128xf32>
    %add3A_41 = arith.addf %slice3A_39, %slice3A_40 : vector<1024x128xf32>
    %swap3A = arith.constant 0 : index
    %swap3A_42 = arith.constant 0 : index
    %swap3A_43 = vector.load %arg8[%swap3A, %swap3A_42] : memref<1024x128xf32, #tpu.memory_space<vmem>>, vector<1024x128xf32>
    tpu.vector_store %arg8[%swap3A, %swap3A_42], %add3A_41 {strides = array<i32>} : memref<1024x128xf32, #tpu.memory_space<vmem>>, vector<1024x128xf32>,
    return
  }
  func.func @transform_0(%arg0: i32) -> (i32, i32) {
    %c0_i32 = arith.constant 0 : i32
    %c0_i32_0 = arith.constant 0 : i32
    return %arg0, %c0_i32 : i32, i32
  }
  func.func @transform_1(%arg0: i32) -> (i32, i32) {
    %c0_i32 = arith.constant 0 : i32
    %c0_i32_0 = arith.constant 0 : i32
    return %arg0, %c0_i32 : i32, i32
  }
  func.func @transform_2(%arg0: i32) -> (i32, i32) {
    %c0_i32 = arith.constant 0 : i32
    %c0_i32_0 = arith.constant 0 : i32
    %c0_i32_1 = arith.constant 0 : i32
    return %c0_i32, %c0_i32_0 : i32, i32
  }
  func.func @transform_3(%arg0: i32) -> (i32, i32) {
    %c0_i32 = arith.constant 0 : i32
    %c0_i32_0 = arith.constant 0 : i32
    %c0_i32_1 = arith.constant 0 : i32
    return %c0_i32, %c0_i32_0 : i32, i32
  }
  func.func @transform_4(%arg0: i32) -> (i32, i32) {
    %c0_i32 = arith.constant 0 : i32
    %c0_i32_0 = arith.constant 0 : i32
    %c0_i32_1 = arith.constant 0 : i32
    return %c0_i32, %c0_i32_0 : i32, i32
  }
  func.func @transform_5(%arg0: i32) -> (i32, i32) {
    %c0_i32 = arith.constant 0 : i32
    %c0_i32_0 = arith.constant 0 : i32
    %c0_i32_1 = arith.constant 0 : i32
    return %c0_i32, %c0_i32_0 : i32, i32
  }
  func.func @transform_6(%arg0: i32) -> (i32, i32) {
    %c0_i32 = arith.constant 0 : i32
    %c0_i32_0 = arith.constant 0 : i32
    %c0_i32_1 = arith.constant 0 : i32
    return %c0_i32, %c0_i32_0 : i32, i32
  }
  func.func @transform_7(%arg0: i32) -> (i32, i32) {
    %c0_i32 = arith.constant 0 : i32
    %c0_i32_0 = arith.constant 0 : i32
    return %arg0, %c0_i32 : i32, i32
  }
}

module attributes {stable_mosaic.version = 14 : i64} {
  func.func @_upd_body(%arg0: memref<2x1252x128xf32, #tpu.memory_space<vmem>>, %arg1: memref<2x1252x128xf32, #tpu.memory_space<vmem>>, %arg2: memref<1252x128xf32, #tpu.memory_space<vmem>>, %arg3: memref<128x128xf32, #tpu.memory_space<vmem>>, %arg4: memref<1x128xf32, #tpu.memory_space<vmem>>, %arg5: memref<1x128xf32, #tpu.memory_space<vmem>>, %arg6: memref<1x128xf32, #tpu.memory_space<vmem>>, %arg7: memref<1252x128xf32, #tpu.memory_space<vmem>>) attributes {dimension_semantics = [], scalar_prefetch = 0 : i64, scratch_operands = 0 : i64, tpu.core_type = #tpu.core_type<tc>} {
    %get3A = arith.constant 0 : index
    %get3A_0 = arith.constant 0 : index
    %get3A_1 = arith.constant 0 : index
    %get3A_2 = vector.load %arg0[%get3A, %get3A_0, %get3A_1] : memref<2x1252x128xf32, #tpu.memory_space<vmem>>, vector<1x1252x128xf32>
    %get3A_3 = vector.shape_cast %get3A_2 : vector<1x1252x128xf32> to vector<1252x128xf32>
    %get3A_4 = arith.constant 1 : index
    %get3A_5 = arith.constant 0 : index
    %get3A_6 = arith.constant 0 : index
    %get3A_7 = vector.load %arg0[%get3A_4, %get3A_5, %get3A_6] : memref<2x1252x128xf32, #tpu.memory_space<vmem>>, vector<1x1252x128xf32>
    %get3A_8 = vector.shape_cast %get3A_7 : vector<1x1252x128xf32> to vector<1252x128xf32>
    %add3A = arith.addf %get3A_3, %get3A_8 : vector<1252x128xf32>
    %get3A_9 = arith.constant 0 : index
    %get3A_10 = arith.constant 0 : index
    %get3A_11 = arith.constant 0 : index
    %get3A_12 = vector.load %arg1[%get3A_9, %get3A_10, %get3A_11] : memref<2x1252x128xf32, #tpu.memory_space<vmem>>, vector<1x1252x128xf32>
    %get3A_13 = vector.shape_cast %get3A_12 : vector<1x1252x128xf32> to vector<1252x128xf32>
    %get3A_14 = arith.constant 1 : index
    %get3A_15 = arith.constant 0 : index
    %get3A_16 = arith.constant 0 : index
    %get3A_17 = vector.load %arg1[%get3A_14, %get3A_15, %get3A_16] : memref<2x1252x128xf32, #tpu.memory_space<vmem>>, vector<1x1252x128xf32>
    %get3A_18 = vector.shape_cast %get3A_17 : vector<1x1252x128xf32> to vector<1252x128xf32>
    %add3A_19 = arith.addf %get3A_13, %get3A_18 : vector<1252x128xf32>
    %max3A = arith.constant 1.000000e+00 : f32
    %max3A_20 = vector.broadcast %max3A : f32 to vector<1252x128xf32>
    %max3A_21 = arith.maximumf %add3A_19, %max3A_20 : vector<1252x128xf32>
    %div3A = arith.divf %add3A, %max3A_21 : vector<1252x128xf32>
    %get3A_22 = arith.constant 0 : index
    %get3A_23 = arith.constant 0 : index
    %get3A_24 = vector.load %arg2[%get3A_22, %get3A_23] : memref<1252x128xf32, #tpu.memory_space<vmem>>, vector<1252x128xf32>
    %get3A_25 = arith.constant 0 : index
    %get3A_26 = arith.constant 0 : index
    %get3A_27 = vector.load %arg3[%get3A_25, %get3A_26] : memref<128x128xf32, #tpu.memory_space<vmem>>, vector<128x128xf32>
    %dot_general3A = arith.constant dense<0.000000e+00> : vector<1252x128xf32>
    %dot_general3A_28 = tpu.matmul %get3A_24, %get3A_27, %dot_general3A {dimension_numbers = #tpu.dot_dimension_numbers<[1], [0], [0], [1], [0, 0, 1, 1], [], []>, transpose_lhs_hint = false} : vector<1252x128xf32>, vector<128x128xf32>, vector<1252x128xf32> -> vector<1252x128xf32>
    %add3A_29 = arith.addf %div3A, %dot_general3A_28 : vector<1252x128xf32>
    %get3A_30 = arith.constant 0 : index
    %get3A_31 = arith.constant 0 : index
    %get3A_32 = vector.load %arg4[%get3A_30, %get3A_31] : memref<1x128xf32, #tpu.memory_space<vmem>>, vector<1x128xf32>
    %add3A_33 = vector.broadcast %get3A_32 : vector<1x128xf32> to vector<1252x128xf32>
    %add3A_34 = arith.addf %add3A_29, %add3A_33 : vector<1252x128xf32>
    %iota3A = tpu.iota {dimensions = array<i32: 0>} : vector<1252x128xi32>
    %lt3A = arith.constant 1250 : i32
    %lt3A_35 = vector.broadcast %lt3A : i32 to vector<1252x128xi32>
    %lt3A_36 = arith.cmpi slt, %iota3A, %lt3A_35 : vector<1252x128xi32>
    %jit3A = arith.constant 0.000000e+00 : f32
    %broadcast_in_dim3A = vector.broadcast %jit3A : f32 to vector<1252x128xf32>
    %select_n3A = arith.select %lt3A_36, %add3A_34, %broadcast_in_dim3A : vector<1252x128xi1>, vector<1252x128xf32>
    %reduce_sum3A = arith.constant dense<0.000000e+00> : vector<128xf32>
    %reduce_sum3A_37 = vector.multi_reduction <add>, %select_n3A, %reduce_sum3A [0] : vector<1252x128xf32> to vector<128xf32>
    %broadcast_in_dim3A_38 = vector.shape_cast %reduce_sum3A_37 : vector<128xf32> to vector<1x128xf32>
    %slice3A = vector.extract_strided_slice %broadcast_in_dim3A_38 {offsets = [0, 0], sizes = [1, 64], strides = [1, 1]} : vector<1x128xf32> to vector<1x64xf32>
    %slice3A_39 = vector.extract_strided_slice %broadcast_in_dim3A_38 {offsets = [0, 64], sizes = [1, 64], strides = [1, 1]} : vector<1x128xf32> to vector<1x64xf32>
    %add3A_40 = arith.addf %slice3A, %slice3A_39 : vector<1x64xf32>
    %slice3A_41 = vector.extract_strided_slice %add3A_40 {offsets = [0, 0], sizes = [1, 32], strides = [1, 1]} : vector<1x64xf32> to vector<1x32xf32>
    %slice3A_42 = vector.extract_strided_slice %add3A_40 {offsets = [0, 32], sizes = [1, 32], strides = [1, 1]} : vector<1x64xf32> to vector<1x32xf32>
    %add3A_43 = arith.addf %slice3A_41, %slice3A_42 : vector<1x32xf32>
    %slice3A_44 = vector.extract_strided_slice %add3A_43 {offsets = [0, 0], sizes = [1, 16], strides = [1, 1]} : vector<1x32xf32> to vector<1x16xf32>
    %slice3A_45 = vector.extract_strided_slice %add3A_43 {offsets = [0, 16], sizes = [1, 16], strides = [1, 1]} : vector<1x32xf32> to vector<1x16xf32>
    %add3A_46 = arith.addf %slice3A_44, %slice3A_45 : vector<1x16xf32>
    %div3A_47 = arith.constant 1.000000e+04 : f32
    %div3A_48 = vector.broadcast %div3A_47 : f32 to vector<1x16xf32>
    %div3A_49 = arith.divf %add3A_46, %div3A_48 : vector<1x16xf32>
    %concatenate3A = tpu.concatenate %div3A_49, %div3A_49, %div3A_49, %div3A_49, %div3A_49, %div3A_49, %div3A_49, %div3A_49 in 1 : vector<1x16xf32>, vector<1x16xf32>, vector<1x16xf32>, vector<1x16xf32>, vector<1x16xf32>, vector<1x16xf32>, vector<1x16xf32>, vector<1x16xf32> -> vector<1x128xf32>
    %sub3A = vector.broadcast %concatenate3A : vector<1x128xf32> to vector<1252x128xf32>
    %sub3A_50 = arith.subf %add3A_34, %sub3A : vector<1252x128xf32>
    %integer_pow3A = arith.mulf %sub3A_50, %sub3A_50 : vector<1252x128xf32>
    %jit3A_51 = arith.constant 0.000000e+00 : f32
    %broadcast_in_dim3A_52 = vector.broadcast %jit3A_51 : f32 to vector<1252x128xf32>
    %select_n3A_53 = arith.select %lt3A_36, %integer_pow3A, %broadcast_in_dim3A_52 : vector<1252x128xi1>, vector<1252x128xf32>
    %reduce_sum3A_54 = arith.constant dense<0.000000e+00> : vector<128xf32>
    %reduce_sum3A_55 = vector.multi_reduction <add>, %select_n3A_53, %reduce_sum3A_54 [0] : vector<1252x128xf32> to vector<128xf32>
    %broadcast_in_dim3A_56 = vector.shape_cast %reduce_sum3A_55 : vector<128xf32> to vector<1x128xf32>
    %slice3A_57 = vector.extract_strided_slice %broadcast_in_dim3A_56 {offsets = [0, 0], sizes = [1, 64], strides = [1, 1]} : vector<1x128xf32> to vector<1x64xf32>
    %slice3A_58 = vector.extract_strided_slice %broadcast_in_dim3A_56 {offsets = [0, 64], sizes = [1, 64], strides = [1, 1]} : vector<1x128xf32> to vector<1x64xf32>
    %add3A_59 = arith.addf %slice3A_57, %slice3A_58 : vector<1x64xf32>
    %slice3A_60 = vector.extract_strided_slice %add3A_59 {offsets = [0, 0], sizes = [1, 32], strides = [1, 1]} : vector<1x64xf32> to vector<1x32xf32>
    %slice3A_61 = vector.extract_strided_slice %add3A_59 {offsets = [0, 32], sizes = [1, 32], strides = [1, 1]} : vector<1x64xf32> to vector<1x32xf32>
    %add3A_62 = arith.addf %slice3A_60, %slice3A_61 : vector<1x32xf32>
    %slice3A_63 = vector.extract_strided_slice %add3A_62 {offsets = [0, 0], sizes = [1, 16], strides = [1, 1]} : vector<1x32xf32> to vector<1x16xf32>
    %slice3A_64 = vector.extract_strided_slice %add3A_62 {offsets = [0, 16], sizes = [1, 16], strides = [1, 1]} : vector<1x32xf32> to vector<1x16xf32>
    %add3A_65 = arith.addf %slice3A_63, %slice3A_64 : vector<1x16xf32>
    %div3A_66 = arith.constant 1.000000e+04 : f32
    %div3A_67 = vector.broadcast %div3A_66 : f32 to vector<1x16xf32>
    %div3A_68 = arith.divf %add3A_65, %div3A_67 : vector<1x16xf32>
    %concatenate3A_69 = tpu.concatenate %div3A_68, %div3A_68, %div3A_68, %div3A_68, %div3A_68, %div3A_68, %div3A_68, %div3A_68 in 1 : vector<1x16xf32>, vector<1x16xf32>, vector<1x16xf32>, vector<1x16xf32>, vector<1x16xf32>, vector<1x16xf32>, vector<1x16xf32>, vector<1x16xf32> -> vector<1x128xf32>
    %get3A_70 = arith.constant 0 : index
    %get3A_71 = arith.constant 0 : index
    %get3A_72 = vector.load %arg5[%get3A_70, %get3A_71] : memref<1x128xf32, #tpu.memory_space<vmem>>, vector<1x128xf32>
    %sub3A_73 = vector.broadcast %concatenate3A : vector<1x128xf32> to vector<1252x128xf32>
    %sub3A_74 = arith.subf %add3A_34, %sub3A_73 : vector<1252x128xf32>
    %mul3A = vector.broadcast %get3A_72 : vector<1x128xf32> to vector<1252x128xf32>
    %mul3A_75 = arith.mulf %mul3A, %sub3A_74 : vector<1252x128xf32>
    %add3A_76 = arith.constant 9.99999974E-6 : f32
    %add3A_77 = vector.broadcast %add3A_76 : f32 to vector<1x128xf32>
    %add3A_78 = arith.addf %concatenate3A_69, %add3A_77 : vector<1x128xf32>
    %rsqrt3A = math.rsqrt %add3A_78 : vector<1x128xf32>
    %mul3A_79 = vector.broadcast %rsqrt3A : vector<1x128xf32> to vector<1252x128xf32>
    %mul3A_80 = arith.mulf %mul3A_75, %mul3A_79 : vector<1252x128xf32>
    %get3A_81 = arith.constant 0 : index
    %get3A_82 = arith.constant 0 : index
    %get3A_83 = vector.load %arg6[%get3A_81, %get3A_82] : memref<1x128xf32, #tpu.memory_space<vmem>>, vector<1x128xf32>
    %add3A_84 = vector.broadcast %get3A_83 : vector<1x128xf32> to vector<1252x128xf32>
    %add3A_85 = arith.addf %mul3A_80, %add3A_84 : vector<1252x128xf32>
    %jit3A_86 = arith.constant 0.000000e+00 : f32
    %broadcast_in_dim3A_87 = vector.broadcast %jit3A_86 : f32 to vector<1252x128xf32>
    %select_n3A_88 = arith.select %lt3A_36, %add3A_85, %broadcast_in_dim3A_87 : vector<1252x128xi1>, vector<1252x128xf32>
    %swap3A = arith.constant 0 : index
    %swap3A_89 = arith.constant 0 : index
    %swap3A_90 = vector.load %arg7[%swap3A, %swap3A_89] : memref<1252x128xf32, #tpu.memory_space<vmem>>, vector<1252x128xf32>
    tpu.vector_store %arg7[%swap3A, %swap3A_89], %select_n3A_88 {strides = array<i32>} : memref<1252x128xf32, #tpu.memory_space<vmem>>, vector<1252x128xf32>,
    return
  }
}

module attributes {stable_mosaic.version = 14 : i64} {
  func.func @_msg_body(%arg0: i32, %arg1: memref<1024x128xf32, #tpu.memory_space<vmem>>, %arg2: memref<1024x128xf32, #tpu.memory_space<vmem>>, %arg3: memref<128x256xf32, #tpu.memory_space<vmem>>, %arg4: memref<1x256xf32, #tpu.memory_space<vmem>>, %arg5: memref<256x2048xbf16, #tpu.memory_space<vmem>>, %arg6: memref<1x2048xf32, #tpu.memory_space<vmem>>, %arg7: memref<128x2048xbf16, #tpu.memory_space<vmem>>, %arg8: memref<1024x128xf32, #tpu.memory_space<vmem>>) attributes {dimension_semantics = [#tpu.dimension_semantics<arbitrary>], iteration_bounds = array<i64: 20>, scalar_prefetch = 0 : i64, scratch_operands = 0 : i64, tpu.core_type = #tpu.core_type<tc>, window_params = [{transform_indices = @transform_0, window_bounds = array<i64: 1024, 128>}, {transform_indices = @transform_1, window_bounds = array<i64: 1024, 128>}, {pipeline_mode = #tpu.pipeline_mode<synchronous>, transform_indices = @transform_2, window_bounds = array<i64: 128, 256>}, {pipeline_mode = #tpu.pipeline_mode<synchronous>, transform_indices = @transform_3, window_bounds = array<i64: 1, 256>}, {pipeline_mode = #tpu.pipeline_mode<synchronous>, transform_indices = @transform_4, window_bounds = array<i64: 256, 2048>}, {pipeline_mode = #tpu.pipeline_mode<synchronous>, transform_indices = @transform_5, window_bounds = array<i64: 1, 2048>}, {pipeline_mode = #tpu.pipeline_mode<synchronous>, transform_indices = @transform_6, window_bounds = array<i64: 128, 2048>}, {transform_indices = @transform_7, window_bounds = array<i64: 1024, 128>}]} {
    %get3A = arith.constant 0 : index
    %get3A_0 = arith.constant 0 : index
    %get3A_1 = vector.load %arg1[%get3A, %get3A_0] : memref<1024x128xf32, #tpu.memory_space<vmem>>, vector<1024x128xf32>
    %get3A_2 = arith.constant 0 : index
    %get3A_3 = arith.constant 0 : index
    %get3A_4 = vector.load %arg3[%get3A_2, %get3A_3] : memref<128x256xf32, #tpu.memory_space<vmem>>, vector<128x256xf32>
    %dot_general3A = arith.constant dense<0.000000e+00> : vector<1024x256xf32>
    %dot_general3A_5 = tpu.matmul %get3A_1, %get3A_4, %dot_general3A {dimension_numbers = #tpu.dot_dimension_numbers<[1], [0], [0], [1], [0, 0, 1, 1], [], []>, transpose_lhs_hint = false} : vector<1024x128xf32>, vector<128x256xf32>, vector<1024x256xf32> -> vector<1024x256xf32>
    %get3A_6 = arith.constant 0 : index
    %get3A_7 = arith.constant 0 : index
    %get3A_8 = vector.load %arg4[%get3A_6, %get3A_7] : memref<1x256xf32, #tpu.memory_space<vmem>>, vector<1x256xf32>
    %add3A = vector.broadcast %get3A_8 : vector<1x256xf32> to vector<1024x256xf32>
    %add3A_9 = arith.addf %dot_general3A_5, %add3A : vector<1024x256xf32>
    %max3A = arith.constant 0.000000e+00 : f32
    %max3A_10 = vector.broadcast %max3A : f32 to vector<1024x256xf32>
    %max3A_11 = arith.maximumf %add3A_9, %max3A_10 : vector<1024x256xf32>
    %convert_element_type3A = arith.truncf %max3A_11 : vector<1024x256xf32> to vector<1024x256xbf16>
    %get3A_12 = arith.constant 0 : index
    %get3A_13 = arith.constant 0 : index
    %get3A_14 = vector.load %arg5[%get3A_12, %get3A_13] : memref<256x2048xbf16, #tpu.memory_space<vmem>>, vector<256x2048xbf16>
    %dot_general3A_15 = arith.constant dense<0.000000e+00> : vector<1024x2048xf32>
    %dot_general3A_16 = tpu.matmul %convert_element_type3A, %get3A_14, %dot_general3A_15 {dimension_numbers = #tpu.dot_dimension_numbers<[1], [0], [0], [1], [0, 0, 1, 1], [], []>, transpose_lhs_hint = false} : vector<1024x256xbf16>, vector<256x2048xbf16>, vector<1024x2048xf32> -> vector<1024x2048xf32>
    %get3A_17 = arith.constant 0 : index
    %get3A_18 = arith.constant 0 : index
    %get3A_19 = vector.load %arg6[%get3A_17, %get3A_18] : memref<1x2048xf32, #tpu.memory_space<vmem>>, vector<1x2048xf32>
    %add3A_20 = vector.broadcast %get3A_19 : vector<1x2048xf32> to vector<1024x2048xf32>
    %add3A_21 = arith.addf %dot_general3A_16, %add3A_20 : vector<1024x2048xf32>
    %max3A_22 = arith.constant 0.000000e+00 : f32
    %max3A_23 = vector.broadcast %max3A_22 : f32 to vector<1024x2048xf32>
    %max3A_24 = arith.maximumf %add3A_21, %max3A_23 : vector<1024x2048xf32>
    %get3A_25 = arith.constant 0 : index
    %get3A_26 = arith.constant 0 : index
    %get3A_27 = vector.load %arg2[%get3A_25, %get3A_26] : memref<1024x128xf32, #tpu.memory_space<vmem>>, vector<1024x128xf32>
    %convert_element_type3A_28 = arith.truncf %get3A_27 : vector<1024x128xf32> to vector<1024x128xbf16>
    %get3A_29 = arith.constant 0 : index
    %get3A_30 = arith.constant 0 : index
    %get3A_31 = vector.load %arg7[%get3A_29, %get3A_30] : memref<128x2048xbf16, #tpu.memory_space<vmem>>, vector<128x2048xbf16>
    %dot_general3A_32 = arith.constant dense<0.000000e+00> : vector<1024x2048xf32>
    %dot_general3A_33 = tpu.matmul %convert_element_type3A_28, %get3A_31, %dot_general3A_32 {dimension_numbers = #tpu.dot_dimension_numbers<[1], [0], [0], [1], [0, 0, 1, 1], [], []>, transpose_lhs_hint = false} : vector<1024x128xbf16>, vector<128x2048xbf16>, vector<1024x2048xf32> -> vector<1024x2048xf32>
    %mul3A = arith.mulf %max3A_24, %dot_general3A_33 : vector<1024x2048xf32>
    %slice3A = vector.extract_strided_slice %mul3A {offsets = [0, 0], sizes = [1024, 1024], strides = [1, 1]} : vector<1024x2048xf32> to vector<1024x1024xf32>
    %slice3A_34 = vector.extract_strided_slice %mul3A {offsets = [0, 1024], sizes = [1024, 1024], strides = [1, 1]} : vector<1024x2048xf32> to vector<1024x1024xf32>
    %add3A_35 = arith.addf %slice3A, %slice3A_34 : vector<1024x1024xf32>
    %slice3A_36 = vector.extract_strided_slice %add3A_35 {offsets = [0, 0], sizes = [1024, 512], strides = [1, 1]} : vector<1024x1024xf32> to vector<1024x512xf32>
    %slice3A_37 = vector.extract_strided_slice %add3A_35 {offsets = [0, 512], sizes = [1024, 512], strides = [1, 1]} : vector<1024x1024xf32> to vector<1024x512xf32>
    %add3A_38 = arith.addf %slice3A_36, %slice3A_37 : vector<1024x512xf32>
    %slice3A_39 = vector.extract_strided_slice %add3A_38 {offsets = [0, 0], sizes = [1024, 256], strides = [1, 1]} : vector<1024x512xf32> to vector<1024x256xf32>
    %slice3A_40 = vector.extract_strided_slice %add3A_38 {offsets = [0, 256], sizes = [1024, 256], strides = [1, 1]} : vector<1024x512xf32> to vector<1024x256xf32>
    %add3A_41 = arith.addf %slice3A_39, %slice3A_40 : vector<1024x256xf32>
    %slice3A_42 = vector.extract_strided_slice %add3A_41 {offsets = [0, 0], sizes = [1024, 128], strides = [1, 1]} : vector<1024x256xf32> to vector<1024x128xf32>
    %slice3A_43 = vector.extract_strided_slice %add3A_41 {offsets = [0, 128], sizes = [1024, 128], strides = [1, 1]} : vector<1024x256xf32> to vector<1024x128xf32>
    %add3A_44 = arith.addf %slice3A_42, %slice3A_43 : vector<1024x128xf32>
    %swap3A = arith.constant 0 : index
    %swap3A_45 = arith.constant 0 : index
    %swap3A_46 = vector.load %arg8[%swap3A, %swap3A_45] : memref<1024x128xf32, #tpu.memory_space<vmem>>, vector<1024x128xf32>
    tpu.vector_store %arg8[%swap3A, %swap3A_45], %add3A_44 {strides = array<i32>} : memref<1024x128xf32, #tpu.memory_space<vmem>>, vector<1024x128xf32>,
    return
  }
  func.func @transform_0(%arg0: i32) -> (i32, i32) {
    %c0_i32 = arith.constant 0 : i32
    %c0_i32_0 = arith.constant 0 : i32
    return %arg0, %c0_i32 : i32, i32
  }
  func.func @transform_1(%arg0: i32) -> (i32, i32) {
    %c0_i32 = arith.constant 0 : i32
    %c0_i32_0 = arith.constant 0 : i32
    return %arg0, %c0_i32 : i32, i32
  }
  func.func @transform_2(%arg0: i32) -> (i32, i32) {
    %c0_i32 = arith.constant 0 : i32
    %c0_i32_0 = arith.constant 0 : i32
    %c0_i32_1 = arith.constant 0 : i32
    return %c0_i32, %c0_i32_0 : i32, i32
  }
  func.func @transform_3(%arg0: i32) -> (i32, i32) {
    %c0_i32 = arith.constant 0 : i32
    %c0_i32_0 = arith.constant 0 : i32
    %c0_i32_1 = arith.constant 0 : i32
    return %c0_i32, %c0_i32_0 : i32, i32
  }
  func.func @transform_4(%arg0: i32) -> (i32, i32) {
    %c0_i32 = arith.constant 0 : i32
    %c0_i32_0 = arith.constant 0 : i32
    %c0_i32_1 = arith.constant 0 : i32
    return %c0_i32, %c0_i32_0 : i32, i32
  }
  func.func @transform_5(%arg0: i32) -> (i32, i32) {
    %c0_i32 = arith.constant 0 : i32
    %c0_i32_0 = arith.constant 0 : i32
    %c0_i32_1 = arith.constant 0 : i32
    return %c0_i32, %c0_i32_0 : i32, i32
  }
  func.func @transform_6(%arg0: i32) -> (i32, i32) {
    %c0_i32 = arith.constant 0 : i32
    %c0_i32_0 = arith.constant 0 : i32
    %c0_i32_1 = arith.constant 0 : i32
    return %c0_i32, %c0_i32_0 : i32, i32
  }
  func.func @transform_7(%arg0: i32) -> (i32, i32) {
    %c0_i32 = arith.constant 0 : i32
    %c0_i32_0 = arith.constant 0 : i32
    return %arg0, %c0_i32 : i32, i32
  }
}

module attributes {stable_mosaic.version = 14 : i64} {
  func.func @_upd_body(%arg0: memref<2x1252x128xf32, #tpu.memory_space<vmem>>, %arg1: memref<2x1252x128xf32, #tpu.memory_space<vmem>>, %arg2: memref<1252x128xf32, #tpu.memory_space<vmem>>, %arg3: memref<128x128xf32, #tpu.memory_space<vmem>>, %arg4: memref<1x128xf32, #tpu.memory_space<vmem>>, %arg5: memref<1x128xf32, #tpu.memory_space<vmem>>, %arg6: memref<1x128xf32, #tpu.memory_space<vmem>>, %arg7: memref<1x32xf32, #tpu.memory_space<vmem>>) attributes {dimension_semantics = [], scalar_prefetch = 0 : i64, scratch_operands = 0 : i64, tpu.core_type = #tpu.core_type<tc>} {
    %get3A = arith.constant 0 : index
    %get3A_0 = arith.constant 0 : index
    %get3A_1 = arith.constant 0 : index
    %get3A_2 = vector.load %arg0[%get3A, %get3A_0, %get3A_1] : memref<2x1252x128xf32, #tpu.memory_space<vmem>>, vector<1x1252x128xf32>
    %get3A_3 = vector.shape_cast %get3A_2 : vector<1x1252x128xf32> to vector<1252x128xf32>
    %get3A_4 = arith.constant 1 : index
    %get3A_5 = arith.constant 0 : index
    %get3A_6 = arith.constant 0 : index
    %get3A_7 = vector.load %arg0[%get3A_4, %get3A_5, %get3A_6] : memref<2x1252x128xf32, #tpu.memory_space<vmem>>, vector<1x1252x128xf32>
    %get3A_8 = vector.shape_cast %get3A_7 : vector<1x1252x128xf32> to vector<1252x128xf32>
    %add3A = arith.addf %get3A_3, %get3A_8 : vector<1252x128xf32>
    %get3A_9 = arith.constant 0 : index
    %get3A_10 = arith.constant 0 : index
    %get3A_11 = arith.constant 0 : index
    %get3A_12 = vector.load %arg1[%get3A_9, %get3A_10, %get3A_11] : memref<2x1252x128xf32, #tpu.memory_space<vmem>>, vector<1x1252x128xf32>
    %get3A_13 = vector.shape_cast %get3A_12 : vector<1x1252x128xf32> to vector<1252x128xf32>
    %get3A_14 = arith.constant 1 : index
    %get3A_15 = arith.constant 0 : index
    %get3A_16 = arith.constant 0 : index
    %get3A_17 = vector.load %arg1[%get3A_14, %get3A_15, %get3A_16] : memref<2x1252x128xf32, #tpu.memory_space<vmem>>, vector<1x1252x128xf32>
    %get3A_18 = vector.shape_cast %get3A_17 : vector<1x1252x128xf32> to vector<1252x128xf32>
    %add3A_19 = arith.addf %get3A_13, %get3A_18 : vector<1252x128xf32>
    %max3A = arith.constant 1.000000e+00 : f32
    %max3A_20 = vector.broadcast %max3A : f32 to vector<1252x128xf32>
    %max3A_21 = arith.maximumf %add3A_19, %max3A_20 : vector<1252x128xf32>
    %div3A = arith.divf %add3A, %max3A_21 : vector<1252x128xf32>
    %get3A_22 = arith.constant 0 : index
    %get3A_23 = arith.constant 0 : index
    %get3A_24 = vector.load %arg2[%get3A_22, %get3A_23] : memref<1252x128xf32, #tpu.memory_space<vmem>>, vector<1252x128xf32>
    %get3A_25 = arith.constant 0 : index
    %get3A_26 = arith.constant 0 : index
    %get3A_27 = vector.load %arg3[%get3A_25, %get3A_26] : memref<128x128xf32, #tpu.memory_space<vmem>>, vector<128x128xf32>
    %dot_general3A = arith.constant dense<0.000000e+00> : vector<1252x128xf32>
    %dot_general3A_28 = tpu.matmul %get3A_24, %get3A_27, %dot_general3A {dimension_numbers = #tpu.dot_dimension_numbers<[1], [0], [0], [1], [0, 0, 1, 1], [], []>, transpose_lhs_hint = false} : vector<1252x128xf32>, vector<128x128xf32>, vector<1252x128xf32> -> vector<1252x128xf32>
    %add3A_29 = arith.addf %div3A, %dot_general3A_28 : vector<1252x128xf32>
    %get3A_30 = arith.constant 0 : index
    %get3A_31 = arith.constant 0 : index
    %get3A_32 = vector.load %arg4[%get3A_30, %get3A_31] : memref<1x128xf32, #tpu.memory_space<vmem>>, vector<1x128xf32>
    %add3A_33 = vector.broadcast %get3A_32 : vector<1x128xf32> to vector<1252x128xf32>
    %add3A_34 = arith.addf %add3A_29, %add3A_33 : vector<1252x128xf32>
    %iota3A = tpu.iota {dimensions = array<i32: 0>} : vector<1252x128xi32>
    %lt3A = arith.constant 1250 : i32
    %lt3A_35 = vector.broadcast %lt3A : i32 to vector<1252x128xi32>
    %lt3A_36 = arith.cmpi slt, %iota3A, %lt3A_35 : vector<1252x128xi32>
    %jit3A = arith.constant 0.000000e+00 : f32
    %broadcast_in_dim3A = vector.broadcast %jit3A : f32 to vector<1252x128xf32>
    %select_n3A = arith.select %lt3A_36, %add3A_34, %broadcast_in_dim3A : vector<1252x128xi1>, vector<1252x128xf32>
    %reduce_sum3A = arith.constant dense<0.000000e+00> : vector<128xf32>
    %reduce_sum3A_37 = vector.multi_reduction <add>, %select_n3A, %reduce_sum3A [0] : vector<1252x128xf32> to vector<128xf32>
    %broadcast_in_dim3A_38 = vector.shape_cast %reduce_sum3A_37 : vector<128xf32> to vector<1x128xf32>
    %slice3A = vector.extract_strided_slice %broadcast_in_dim3A_38 {offsets = [0, 0], sizes = [1, 64], strides = [1, 1]} : vector<1x128xf32> to vector<1x64xf32>
    %slice3A_39 = vector.extract_strided_slice %broadcast_in_dim3A_38 {offsets = [0, 64], sizes = [1, 64], strides = [1, 1]} : vector<1x128xf32> to vector<1x64xf32>
    %add3A_40 = arith.addf %slice3A, %slice3A_39 : vector<1x64xf32>
    %slice3A_41 = vector.extract_strided_slice %add3A_40 {offsets = [0, 0], sizes = [1, 32], strides = [1, 1]} : vector<1x64xf32> to vector<1x32xf32>
    %slice3A_42 = vector.extract_strided_slice %add3A_40 {offsets = [0, 32], sizes = [1, 32], strides = [1, 1]} : vector<1x64xf32> to vector<1x32xf32>
    %add3A_43 = arith.addf %slice3A_41, %slice3A_42 : vector<1x32xf32>
    %slice3A_44 = vector.extract_strided_slice %add3A_43 {offsets = [0, 0], sizes = [1, 16], strides = [1, 1]} : vector<1x32xf32> to vector<1x16xf32>
    %slice3A_45 = vector.extract_strided_slice %add3A_43 {offsets = [0, 16], sizes = [1, 16], strides = [1, 1]} : vector<1x32xf32> to vector<1x16xf32>
    %add3A_46 = arith.addf %slice3A_44, %slice3A_45 : vector<1x16xf32>
    %div3A_47 = arith.constant 1.000000e+04 : f32
    %div3A_48 = vector.broadcast %div3A_47 : f32 to vector<1x16xf32>
    %div3A_49 = arith.divf %add3A_46, %div3A_48 : vector<1x16xf32>
    %concatenate3A = tpu.concatenate %div3A_49, %div3A_49, %div3A_49, %div3A_49, %div3A_49, %div3A_49, %div3A_49, %div3A_49 in 1 : vector<1x16xf32>, vector<1x16xf32>, vector<1x16xf32>, vector<1x16xf32>, vector<1x16xf32>, vector<1x16xf32>, vector<1x16xf32>, vector<1x16xf32> -> vector<1x128xf32>
    %sub3A = vector.broadcast %concatenate3A : vector<1x128xf32> to vector<1252x128xf32>
    %sub3A_50 = arith.subf %add3A_34, %sub3A : vector<1252x128xf32>
    %integer_pow3A = arith.mulf %sub3A_50, %sub3A_50 : vector<1252x128xf32>
    %jit3A_51 = arith.constant 0.000000e+00 : f32
    %broadcast_in_dim3A_52 = vector.broadcast %jit3A_51 : f32 to vector<1252x128xf32>
    %select_n3A_53 = arith.select %lt3A_36, %integer_pow3A, %broadcast_in_dim3A_52 : vector<1252x128xi1>, vector<1252x128xf32>
    %reduce_sum3A_54 = arith.constant dense<0.000000e+00> : vector<128xf32>
    %reduce_sum3A_55 = vector.multi_reduction <add>, %select_n3A_53, %reduce_sum3A_54 [0] : vector<1252x128xf32> to vector<128xf32>
    %broadcast_in_dim3A_56 = vector.shape_cast %reduce_sum3A_55 : vector<128xf32> to vector<1x128xf32>
    %slice3A_57 = vector.extract_strided_slice %broadcast_in_dim3A_56 {offsets = [0, 0], sizes = [1, 64], strides = [1, 1]} : vector<1x128xf32> to vector<1x64xf32>
    %slice3A_58 = vector.extract_strided_slice %broadcast_in_dim3A_56 {offsets = [0, 64], sizes = [1, 64], strides = [1, 1]} : vector<1x128xf32> to vector<1x64xf32>
    %add3A_59 = arith.addf %slice3A_57, %slice3A_58 : vector<1x64xf32>
    %slice3A_60 = vector.extract_strided_slice %add3A_59 {offsets = [0, 0], sizes = [1, 32], strides = [1, 1]} : vector<1x64xf32> to vector<1x32xf32>
    %slice3A_61 = vector.extract_strided_slice %add3A_59 {offsets = [0, 32], sizes = [1, 32], strides = [1, 1]} : vector<1x64xf32> to vector<1x32xf32>
    %add3A_62 = arith.addf %slice3A_60, %slice3A_61 : vector<1x32xf32>
    %slice3A_63 = vector.extract_strided_slice %add3A_62 {offsets = [0, 0], sizes = [1, 16], strides = [1, 1]} : vector<1x32xf32> to vector<1x16xf32>
    %slice3A_64 = vector.extract_strided_slice %add3A_62 {offsets = [0, 16], sizes = [1, 16], strides = [1, 1]} : vector<1x32xf32> to vector<1x16xf32>
    %add3A_65 = arith.addf %slice3A_63, %slice3A_64 : vector<1x16xf32>
    %div3A_66 = arith.constant 1.000000e+04 : f32
    %div3A_67 = vector.broadcast %div3A_66 : f32 to vector<1x16xf32>
    %div3A_68 = arith.divf %add3A_65, %div3A_67 : vector<1x16xf32>
    %concatenate3A_69 = tpu.concatenate %div3A_68, %div3A_68, %div3A_68, %div3A_68, %div3A_68, %div3A_68, %div3A_68, %div3A_68 in 1 : vector<1x16xf32>, vector<1x16xf32>, vector<1x16xf32>, vector<1x16xf32>, vector<1x16xf32>, vector<1x16xf32>, vector<1x16xf32>, vector<1x16xf32> -> vector<1x128xf32>
    %get3A_70 = arith.constant 0 : index
    %get3A_71 = arith.constant 0 : index
    %get3A_72 = vector.load %arg5[%get3A_70, %get3A_71] : memref<1x128xf32, #tpu.memory_space<vmem>>, vector<1x128xf32>
    %sub3A_73 = vector.broadcast %concatenate3A : vector<1x128xf32> to vector<1252x128xf32>
    %sub3A_74 = arith.subf %add3A_34, %sub3A_73 : vector<1252x128xf32>
    %mul3A = vector.broadcast %get3A_72 : vector<1x128xf32> to vector<1252x128xf32>
    %mul3A_75 = arith.mulf %mul3A, %sub3A_74 : vector<1252x128xf32>
    %add3A_76 = arith.constant 9.99999974E-6 : f32
    %add3A_77 = vector.broadcast %add3A_76 : f32 to vector<1x128xf32>
    %add3A_78 = arith.addf %concatenate3A_69, %add3A_77 : vector<1x128xf32>
    %rsqrt3A = math.rsqrt %add3A_78 : vector<1x128xf32>
    %mul3A_79 = vector.broadcast %rsqrt3A : vector<1x128xf32> to vector<1252x128xf32>
    %mul3A_80 = arith.mulf %mul3A_75, %mul3A_79 : vector<1252x128xf32>
    %get3A_81 = arith.constant 0 : index
    %get3A_82 = arith.constant 0 : index
    %get3A_83 = vector.load %arg6[%get3A_81, %get3A_82] : memref<1x128xf32, #tpu.memory_space<vmem>>, vector<1x128xf32>
    %add3A_84 = vector.broadcast %get3A_83 : vector<1x128xf32> to vector<1252x128xf32>
    %add3A_85 = arith.addf %mul3A_80, %add3A_84 : vector<1252x128xf32>
    %jit3A_86 = arith.constant 0.000000e+00 : f32
    %broadcast_in_dim3A_87 = vector.broadcast %jit3A_86 : f32 to vector<1252x128xf32>
    %select_n3A_88 = arith.select %lt3A_36, %add3A_85, %broadcast_in_dim3A_87 : vector<1252x128xi1>, vector<1252x128xf32>
    %reduce_sum3A_89 = arith.constant dense<0.000000e+00> : vector<128xf32>
    %reduce_sum3A_90 = vector.multi_reduction <add>, %select_n3A_88, %reduce_sum3A_89 [0] : vector<1252x128xf32> to vector<128xf32>
    %broadcast_in_dim3A_91 = vector.shape_cast %reduce_sum3A_90 : vector<128xf32> to vector<1x128xf32>
    %slice3A_92 = vector.extract_strided_slice %broadcast_in_dim3A_91 {offsets = [0, 0], sizes = [1, 64], strides = [1, 1]} : vector<1x128xf32> to vector<1x64xf32>
    %slice3A_93 = vector.extract_strided_slice %broadcast_in_dim3A_91 {offsets = [0, 64], sizes = [1, 64], strides = [1, 1]} : vector<1x128xf32> to vector<1x64xf32>
    %add3A_94 = arith.addf %slice3A_92, %slice3A_93 : vector<1x64xf32>
    %slice3A_95 = vector.extract_strided_slice %add3A_94 {offsets = [0, 0], sizes = [1, 32], strides = [1, 1]} : vector<1x64xf32> to vector<1x32xf32>
    %slice3A_96 = vector.extract_strided_slice %add3A_94 {offsets = [0, 32], sizes = [1, 32], strides = [1, 1]} : vector<1x64xf32> to vector<1x32xf32>
    %add3A_97 = arith.addf %slice3A_95, %slice3A_96 : vector<1x32xf32>
    %slice3A_98 = vector.extract_strided_slice %add3A_97 {offsets = [0, 0], sizes = [1, 16], strides = [1, 1]} : vector<1x32xf32> to vector<1x16xf32>
    %slice3A_99 = vector.extract_strided_slice %add3A_97 {offsets = [0, 16], sizes = [1, 16], strides = [1, 1]} : vector<1x32xf32> to vector<1x16xf32>
    %add3A_100 = arith.addf %slice3A_98, %slice3A_99 : vector<1x16xf32>
    %div3A_101 = arith.constant 1.000000e+04 : f32
    %div3A_102 = vector.broadcast %div3A_101 : f32 to vector<1x16xf32>
    %div3A_103 = arith.divf %add3A_100, %div3A_102 : vector<1x16xf32>
    %jit3A_104 = arith.constant 0xFF800000 : f32
    %broadcast_in_dim3A_105 = vector.broadcast %jit3A_104 : f32 to vector<1252x128xf32>
    %select_n3A_106 = arith.select %lt3A_36, %select_n3A_88, %broadcast_in_dim3A_105 : vector<1252x128xi1>, vector<1252x128xf32>
    %reduce_max3A = arith.constant dense<0xFF800000> : vector<128xf32>
    %reduce_max3A_107 = vector.multi_reduction <maximumf>, %select_n3A_106, %reduce_max3A [0] : vector<1252x128xf32> to vector<128xf32>
    %broadcast_in_dim3A_108 = vector.shape_cast %reduce_max3A_107 : vector<128xf32> to vector<1x128xf32>
    %slice3A_109 = vector.extract_strided_slice %broadcast_in_dim3A_108 {offsets = [0, 0], sizes = [1, 64], strides = [1, 1]} : vector<1x128xf32> to vector<1x64xf32>
    %slice3A_110 = vector.extract_strided_slice %broadcast_in_dim3A_108 {offsets = [0, 64], sizes = [1, 64], strides = [1, 1]} : vector<1x128xf32> to vector<1x64xf32>
    %max3A_111 = arith.maximumf %slice3A_109, %slice3A_110 : vector<1x64xf32>
    %slice3A_112 = vector.extract_strided_slice %max3A_111 {offsets = [0, 0], sizes = [1, 32], strides = [1, 1]} : vector<1x64xf32> to vector<1x32xf32>
    %slice3A_113 = vector.extract_strided_slice %max3A_111 {offsets = [0, 32], sizes = [1, 32], strides = [1, 1]} : vector<1x64xf32> to vector<1x32xf32>
    %max3A_114 = arith.maximumf %slice3A_112, %slice3A_113 : vector<1x32xf32>
    %slice3A_115 = vector.extract_strided_slice %max3A_114 {offsets = [0, 0], sizes = [1, 16], strides = [1, 1]} : vector<1x32xf32> to vector<1x16xf32>
    %slice3A_116 = vector.extract_strided_slice %max3A_114 {offsets = [0, 16], sizes = [1, 16], strides = [1, 1]} : vector<1x32xf32> to vector<1x16xf32>
    %max3A_117 = arith.maximumf %slice3A_115, %slice3A_116 : vector<1x16xf32>
    %concatenate3A_118 = tpu.concatenate %div3A_103, %max3A_117 in 1 : vector<1x16xf32>, vector<1x16xf32> -> vector<1x32xf32>
    %swap3A = arith.constant 0 : index
    %swap3A_119 = arith.constant 0 : index
    %swap3A_120 = vector.load %arg7[%swap3A, %swap3A_119] : memref<1x32xf32, #tpu.memory_space<vmem>>, vector<1x32xf32>
    tpu.vector_store %arg7[%swap3A, %swap3A_119], %concatenate3A_118 {strides = array<i32>} : memref<1x32xf32, #tpu.memory_space<vmem>>, vector<1x32xf32>,
    return
  }
}

</mosaic_0001>

<sc_bundles>
// kernel: kernel.12.cloned.1.call-start
scs
__scs_entry_jumppad:
0x0: {  	(pc) =	sbr.rel $0x88, $3  }
0x1: {  	(tag) =	ssettag $0x0;
	lr =	simm.s32 $0x1  }
0x2: {  	[smem:$0x3F8A] =	sst lr;
	_ =	strace $0xD0000000  }
0x3: {  	_ = 	snop  }
0x4: {  	_ = 	snop  }
0x5: {  	_ = 	snop  }
0x6: {  	_ = 	snop  }
0x7: {  	_ = 	snop  }
__scs_overlays_trampoline_lowered:
0x8: {  	[smem:$0x3F99] =	sst s0  }
0x9: {  	[smem:$0x3F9A] =	sst s1  }
0xa: {  	[smem:$0x3F9B] =	sst s2  }
0xb: {  	[smem:$0x3F9C] =	sst s3  }
0xc: {  	[smem:$0x3F9D] =	sst s4  }
0xd: {  	[smem:$0x3F9E] =	sst s5  }
0xe: {  	[smem:$0x3F9F] =	sst s6  }
0xf: {  	[smem:$0x3FA0] =	sst s7  }
0x10: {  	[smem:$0x3FA1] =	sst s8  }
0x11: {  	[smem:$0x3FA2] =	sst s9;
	s0 =	simm.s32 @!p0 $0x0  }
0x12: {  	s1 =	sld [smem:$0x3F88];
	s0 =	simm.s32 @p0 $0x1  }
0x13: {  	[smem:$0x3FA3] =	sst s0;
	s0 =	simm.s32 @!p1 $0x0  }
0x14: {  	s2 =	sld [smem:$0x3F87];
	s0 =	simm.s32 @p1 $0x1  }
0x15: {  	[smem:$0x3FA4] =	sst s0;
	s0 =	simm.s32 @!p2 $0x0  }
0x16: {  	s3 =	sld [smem:$0x3FDB];
	s0 =	simm.s32 @p2 $0x1  }
0x17: {  	s4 =	simm.s32 $0x1BF5;
	[smem:$0x3FA6] =	sst s0  }
0x18: {  	s0 =	sld [smem:$0x3F89];
	_ =	swait.ge [sflag:s4], $0x0  }
0x19: {  	s7 =	sld [smem:$0x3F8A]  }
0x1a: {  	s8 =	sadd.s32 $0xFFFFE003, lr  }
0x1b: {  	s9 =	sadd.s32 $0xFFFFFEF7, lr;
	s5 =	simm.s32 $0xFFFFFFFF;
	p2 =	slt.u32 s8, $0xFFFFF086  }
0x1c: {  	p1 =	slt.u32 s9, $0xF7A;
	s5 =	simm.s32 @!p2 $0x0  }
0x1d: {  	s5 =	simm.s32 @p1 $0x1;
	p0 =	seq.s32 s7, s2  }
0x1e: {  	s7 =	smul.u32 @!p0 $0xF7A, s2;
	p2 =	seq.s32 @!p0 s5, $0x0  }
0x1f: {  	s9 =	smul.u32 $0xF7A, s1;
	s8 =	simm.s32 @!p0 $0x1BF5;
	p2 =	por !p2, p0  }
0x20: {  	[sflag:s8] =	ssyncset.s32 @!p0 $0xFFFFF086;
	s6 =	sadd.s32 @!p0 s3, s7;
	s7 =	simm.s32 @!p0 $0x108  }
0x21: {  	s3 =	sadd.s32 s3, s9;
	s6 =	sadd.s32 @!p0 $0x88, s6;
	s7 =	simm.s32 @p2 $0x1082  }
0x22: {  	[simem:s7], [sflag:s8] =	dma.local @!p0 [hbm:s6], $0xF7A  }
0x23: {  	s9 =	sor.u32 $0xD0000000, s2;
	s6 =	simm.s32 $0x108;
	_ =	swait.ge @!p0 [sflag:s8], $0x0  }
0x24: {  	s3 =	sadd.s32 $0x88, s3;
	s6 =	simm.s32 @!p1 $0x1082;
	[sflag:s4] =	ssyncset.s32 $0xFFFFF086  }
0x25: {  	[simem:s6], [sflag:s4] =	dma.local [hbm:s3], $0xF7A  }
0x26: {  	[smem:$0x3F8A] =	sst s1;
	(tag) =	ssettag s2;
	_ =	strace s9  }
0x27: {  	s1 =	sld [smem:$0x3F9A]  }
0x28: {  	s2 =	sld [smem:$0x3F9B]  }
0x29: {  	s4 =	sld [smem:$0x3F9D]  }
0x2a: {  	p0 =	seq.s32 s5, $0x0;
	s5 =	sld [smem:$0x3F9E]  }
0x2b: {  	s6 =	sld [smem:$0x3F9F]  }
0x2c: {  	s7 =	sld [smem:$0x3FA0]  }
0x2d: {  	s3 =	simm.s32 $0x108;
	s8 =	sld [smem:$0x3FA1]  }
0x2e: {  	s3 =	simm.s32 @!p0 $0x1082;
	s9 =	sld [smem:$0x3FA2]  }
0x2f: {  	lr =	sadd.s32 s0, s3;
	s0 =	sld [smem:$0x3F99]  }
0x30: {  	s3 =	sld [smem:$0x3F9C]  }
0x31: {  	[smem:$0x3FA5] =	sst s10  }
0x32: {  	s10 =	sld [smem:$0x3FA3];
	_ =	sdelay $0x3  }
0x33: {  	p0 =	seq.s32 s10, $0x1;
	s10 =	sld [smem:$0x3FA5];
	_ =	sdelay $0x3  }
0x34: {  	[smem:$0x3FA5] =	sst s10  }
0x35: {  	s10 =	sld [smem:$0x3FA4];
	_ =	sdelay $0x3  }
0x36: {  	p1 =	seq.s32 s10, $0x1;
	s10 =	sld [smem:$0x3FA5];
	_ =	sdelay $0x3  }
0x37: {  	[smem:$0x3FA5] =	sst s10  }
0x38: {  	s10 =	sld [smem:$0x3FA6]  }
0x39: {  	_ = 	snop;
	(pc) =	sbr.ind lr, $3  }
0x3a: {  	_ = 	snop  }
0x3b: {  	_ = 	snop  }
0x3c: {  	p2 =	seq.s32 s10, $0x1;
	s10 =	sld [smem:$0x3FA5]  }
0x3d: {  	_ =	shalt  }
0x3e: {  	_ =	shalt  }
0x3f: {  	_ =	shalt  }
0x40: {  	_ =	shalt  }
0x41: {  	_ =	shalt  }
0x42: {  	_ =	shalt  }
0x43: {  	_ =	shalt  }
0x44: {  	_ =	shalt  }
0x45: {  	_ =	shalt  }
0x46: {  	_ =	shalt  }
0x47: {  	_ =	shalt  }
0x48: {  	_ =	shalt  }
0x49: {  	_ =	shalt  }
0x4a: {  	_ =	shalt  }
0x4b: {  	_ =	shalt  }
0x4c: {  	_ =	shalt  }
0x4d: {  	_ =	shalt  }
0x4e: {  	_ =	shalt  }
0x4f: {  	_ =	shalt  }
0x50: {  	_ =	shalt  }
0x51: {  	_ =	shalt  }
0x52: {  	_ =	shalt  }
0x53: {  	_ =	shalt  }
0x54: {  	_ =	shalt  }
0x55: {  	_ =	shalt  }
0x56: {  	_ =	shalt  }
0x57: {  	_ =	shalt  }
0x58: {  	_ =	shalt  }
0x59: {  	_ =	shalt  }
0x5a: {  	_ =	shalt  }
0x5b: {  	_ =	shalt  }
0x5c: {  	_ =	shalt  }
0x5d: {  	_ =	shalt  }
0x5e: {  	_ =	shalt  }
0x5f: {  	_ =	shalt  }
0x60: {  	_ =	shalt  }
0x61: {  	_ =	shalt  }
0x62: {  	_ =	shalt  }
0x63: {  	_ =	shalt  }
0x64: {  	_ =	shalt  }
0x65: {  	_ =	shalt  }
0x66: {  	_ =	shalt  }
0x67: {  	_ =	shalt  }
0x68: {  	_ =	shalt  }
0x69: {  	_ =	shalt  }
0x6a: {  	_ =	shalt  }
0x6b: {  	_ =	shalt  }
0x6c: {  	_ =	shalt  }
0x6d: {  	_ =	shalt  }
0x6e: {  	_ =	shalt  }
0x6f: {  	_ =	shalt  }
0x70: {  	_ =	shalt  }
0x71: {  	_ =	shalt  }
0x72: {  	_ =	shalt  }
0x73: {  	_ =	shalt  }
0x74: {  	_ =	shalt  }
0x75: {  	_ =	shalt  }
0x76: {  	_ =	shalt  }
0x77: {  	_ =	shalt  }
0x78: {  	_ =	shalt  }
0x79: {  	_ =	shalt  }
0x7a: {  	_ =	shalt  }
0x7b: {  	_ =	shalt  }
0x7c: {  	_ =	shalt  }
0x7d: {  	_ =	shalt  }
0x7e: {  	_ =	shalt  }
0x7f: {  	_ =	shalt  }
0x80: {  	_ =	shalt  }
0x81: {  	_ =	shalt  }
0x82: {  	_ =	shalt  }
0x83: {  	_ =	shalt  }
0x84: {  	_ =	shalt  }
0x85: {  	_ =	shalt  }
0x86: {  	_ =	shalt  }
0x87: {  	_ =	shalt  }
.Lfunc_end0:
.L_simem_size_0:
called_computation_lowered:
.L_overlay_start_0:
0x88: {  	s2 =	sld [smem:$0x3FD9]  }
0x89: {  	s3 =	sld [smem:$0x3FFE];
	_ =	sdelay $0x1  }
0x8a: {  	s1 =	srdreg.scid  }
0x8b: {  	s0 =	sand.u32 $0x1, s1  }
0x8c: {  	s16 =	sshll.u32 s0, $0xA;
	s2 =	sadd.s32 s3, s2  }
0x8d: {  	s2 =	sadd.s32 s2, s16  }
0x8e: {  	[smem:$0x3FB1] =	sst s2  }
0x8f: {  	_ = 	snop  }
0x90: {  	(tm) =	ssettm $0x1  }
0x91: {  	s17 =	sld [smem:$0x3FFB];
	_ =	sdelay $0x3  }
0x92: {  	_ =	strace s17  }
0x93: {  	s2 =	sld [smem:$0x3FFC];
	_ =	sdelay $0x3  }
0x94: {  	_ =	strace s2  }
0x95: {  	s2 =	sld [smem:$0x3FFD];
	_ =	sdelay $0x3  }
0x96: {  	_ =	strace s2  }
0x97: {  	_ =	strace $0x8FFFFFFF  }
0x98: {  	s18 =	sld [smem:$0x3FDB];
	_ =	sdelay $0x1  }
0x99: {  	s19 =	simm.s32 $_scs_section_size  }
0x9a: {  	s4 =	simm.s32 $_size__tile_overlayer_lowered;
	s5 =	simm.s32 $_tile_overlayer_lowered  }
0x9b: {  	s22 =	simm.s32 $0x1BFF;
	s21 =	sshll.u32 s5, $0x1;
	s2 =	sadd.s32 s19, s18  }
0x9c: {  	s6 =	simm.s32 $0x0;
	s20 =	sshll.u32 s4, $0x1;
	s4 =	sadd.s32 s21, s2  }
0x9d: {  	[timem:s6], [sflag:s22] =	dma.local [hbm:s4], s20  }
0x9e: {  	_ =	swait.ge [sflag:s22], s20  }
0x9f: {  	s3 =	ssub.s32 $0x0, s20;
	[sflag:s22] =	ssyncset.done $0x0  }
0xa0: {  	[sflag:s22] =	ssyncadd.s32 s3;
	_ =	sdelay $0x1  }
0xa1: {  	s23 =	simm.s32 $0x1B8B  }
0xa2: {  	_ =	swait.ge [sflag:s23], $0x1  }
0xa3: {  	[sflag:s23] =	ssyncset.done $0x0  }
0xa4: {  	s25 =	simm.s32 $0x1B8E;
	s24 =	sld [smem:$0x3FFE];
	[sflag:s23] =	ssyncadd.s32 $0xFFFFFFFF  }
0xa5: {  	s26 =	simm.s32 $execute0_lowered;
	[smem:$0x3FD2] =	sst s25  }
0xa6: {  	s4 =	sshll.u32 s26, $0x1;
	_ =	strace $0x80000046;
	[dreg:$0x1] =	wrdreg $0xFFFFFFFF  }
0xa7: {  	s28 =	simm.s32 $_size_execute0_lowered;
	s2 =	sadd.s32 s2, s4;
	[dreg:$0x0] =	wrdreg $0x0  }
0xa8: {  	s4 =	sshll.u32 s28, $0x1;
	[dreg:$0x2] =	wrdreg s2  }
0xa9: {  	[dreg:$0x3] =	wrdreg s4  }
0xaa: {  	[dreg:$0x4] =	wrdreg $0xC0  }
0xab: {  	_ =	task [dreg:s6], $0x5FFFF  }
0xac: {  	[dreg:$0x1] =	wrdreg $0xFFFFFFFF  }
0xad: {  	[dreg:$0x0] =	wrdreg $0x60  }
0xae: {  	[dreg:$0x2] =	wrdreg s24  }
0xaf: {  	[dreg:$0x3] =	wrdreg $0x154000  }
0xb0: {  	[dreg:$0x4] =	wrdreg $0x9  }
0xb1: {  	_ =	task.clear_ibuf [dreg:s6], $0x5FFFF;
	_ =	strace $0x90000046  }
0xb2: {  	s29 =	simm.s32 $0x9;
	_ =	strace $0x80000048  }
0xb3: {  	_ =	swait.ge [sflag:s29], $0x1  }
0xb4: {  	[sflag:s29] =	ssyncadd.s32 $0xFFFFFFFF  }
0xb5: {  	_ =	strace $0x90000048  }
0xb6: {  	_ =	sfence  }
0xb7: {  	s30 =	sld [smem:$0x0];
	_ =	sdelay $0x2  }
0xb8: {  	s31 =	sshll.u32 s1, $0xD;
	s1 =	sshrl.u32 s1, $0x2  }
0xb9: {  	s3 =	sand.u32 $0x4000, s31;
	s1 =	sadd.s32 s1, s30  }
0xba: {  	s0 =	sor.u32 s3, s0;
	s1 =	sshll.u32 s1, $0x11  }
0xbb: {  	s0 =	sor.u32 s1, s0  }
0xbc: {  	s0 =	sadd.s32 $0x8F2B, s0  }
0xbd: {  	[sflag:s0] =	ssyncadd.remote.s32 $0x1  }
0xbe: {  	_ =	sfence.sel $0xFFFF  }
0xbf: {  	[dreg:$0x0] =	wrdreg $0xFFFFFFFF;
	(pc) =	sbr.abs _section_cstart, $3  }
0xc0: {  	[dreg:$0x1] =	wrdreg $0xFFFFFFFF  }
0xc1: {  	_ =	task.clear_ibuf [dreg:s6], $0x2FFFF;
	_ =	strace $0x9FFFFFFF  }
0xc2: {  	(tm) =	ssettm $0x7FFFFFFF  }
0xc3: {  	_ =	shalt  }
tec
execute0_lowered:
.L_overlay_start_1:
0x0: {  	(tag) =	ssettag $0x1  }
0x1: {  	s4 =	rddreg [dreg:$0x0]  }
0x2: {  	s1 =	rddreg [dreg:$0x1]  }
0x3: {  	s2 =	srdreg.scid;
	s0 =	rddreg [dreg:$0x2]  }
0x4: {  	s3 =	simm.s32 $0x0;
	s13 =	simm.s32 $0x1400;
	s14 =	simm.s32 $0x0  }
0x5: {  	s5 =	sand.u32 $0x1, s2;
	s2 =	stileid.u32;
	[smem:$0x7FF] =	sst s3  }
0x6: {  	s6 =	sshll.u32 s5, $0x4;
	s7 =	smul.u32 $0x2720, s2;
	_ =	strace $0x80000047  }
0x7: {  	s5 =	ssub.s32 $0x2, s5;
	s31 =	sshll.u32 s2, $0x6;
	s6 =	sor.u32 s2, s6  }
0x8: {  	s10 =	sshrl.u32 s5, $0x1;
	s8 =	smul.u32 $0x280, s6;
	s9 =	sshrl.u32 s7, $0x3  }
0x9: {  	s6 =	smul.u32 $0x2800, s6;
	s10 =	ssub.s32 s5, s10;
	s12 =	sadd.s32 s7, s1  }
0xa: {  	s5 =	sor.u32 $0x1C02, s31;
	s9 =	sadd.s32 s9, s4;
	s8 =	sadd.s32 s8, s4  }
0xb: {  	s11 =	sadd.s32 s6, s4;
	s4 =	sadd.s32 $0xE800, s9;
	s9 =	sshrl.u32 s12, $0x3  }
0xc: {  	s12 =	simm.s32 $0x1;
	s6 =	sadd.s32 $0x4800, s8;
	s7 =	sadd.s32 $0x13800, s11  }
0xd: {  	s8 =	smax.u32 s10, $0x1;
	s10 =	simm.s32 $0x2;
	s11 =	simm.s32 $0x80  }
.LBB2_1:
0xe: {  	[spmem:s9], [sflag:s5] =	dma.local [hbm:s4], $0x4E4  }
0xf: {  	_ =	swait.ge [sflag:s10], $0x4E4  }
0x10: {  	[sflag:s10] =	ssyncset.done $0x0  }
0x11: {  	[sflag:s10] =	ssyncadd.s32 $0xFFFFFB1C  }
0x12: {  	[tilespmem:s3], [sflag:$0x2] =	stream.linear.gather [hbm4b:s6+s3], $0x1400, $0x38;
	[tilespmem:$0x17B20] =	vst v63  }
0x13: {  	_ =	swait.ge [sflag:s10], $0x1400  }
0x14: {  	[sflag:s10] =	ssyncset.done $0x0  }
0x15: {  	s15 =	simm.s32 $0x200;
	s18 =	simm.s32 $0x0;
	[sflag:s10] =	ssyncadd.s32 $0xFFFFEC00  }
0x16: {  	s16 =	simm.s32 $0x1C00;
	s17 =	simm.s32 $0x1400;
	[bflag:$0x0] =	sbarrier.arrive $0xFFFF  }
.LBB2_2:
0x17: {  	[tilespmem:s17], [sflag:$0x1] =	stream.indirect.gather [spmem:s1], $0x10, s18, s11, $0xb8;
	[tilespmem:$0x17B20] =	vst v63  }
0x18: {  	s18 =	smov.u32 s15;
	s17 =	smov.u32 s16;
	p0 =	sne.s32 s15, $0x4E00  }
.Ltmp0:
0x19: {  	s15 =	sadd.s32 $0x200, s15;
	(pc) =	sbr.rel @p0 .LBB2_2-.Ltmp0, $2  }
0x1a: {  	_ =	sdelay $0x2  }
0x1b: {  	s16 =	sadd.s32 $0x800, s16;
	s18 =	sshra.s32 s18, $0x2  }
0x1c: {  	[tilespmem:s17], [sflag:$0x1] =	stream.indirect.gather [spmem:s1], $0x10, s18, s11, $0xb8;
	[tilespmem:$0x17B20] =	vst v63  }
0x1d: {  	s14 =	sadd.s32 $0x1, s14;
	_ =	swait.ge [sflag:s12], $0x14000  }
0x1e: {  	p0 =	sne.s32 s14, s8;
	[sflag:s12] =	ssyncset.done $0x0  }
.Ltmp1:
0x1f: {  	[sflag:s12] =	ssyncadd.s32 $0xFFFEC000;
	(pc) =	sbr.rel @p0 .LBB2_1-.Ltmp1, $4  }
0x20: {  	[hbm4b:s7+s3] =	stream.linear.scatter [tilespmem:s13], [sflag:$0x2], $0x14000, $0x38;
	[tilespmem:$0x17B20] =	vst v63  }
0x21: {  	_ =	swait.ge [sflag:s10], $0x14000  }
0x22: {  	[sflag:s10] =	ssyncset.done $0x0  }
0x23: {  	[sflag:s10] =	ssyncadd.s32 $0xFFFEC000  }
0x24: {  	_ =	sfence.sel $0x180000  }
0x25: {  	[bflag:$0x0] =	sbarrier.arrive $0xFFFF  }
0x26: {  	p0 =	sne.s32 s2, $0x0;
	_ =	strace $0x90000047  }
0x27: {  	s0 =	sadd.s32 @!p0 $0x100000, s0;
	[bflag:$0x2] =	sbarrier.arrive $0xFFFF  }
0x28: {  	[sflag:s0] =	ssyncadd.tile.s32 @!p0 $0x1;
	_ =	shalt  }
.Lfunc_end2:
_tile_overlayer_lowered:
.L_overlay_start_2:
0x29: {  	(tag) =	ssettag $0x2  }
0x2a: {  	s0 =	rddreg [dreg:$0x0];
	s2 =	stileid.u32  }
0x2b: {  	s1 =	rddreg [dreg:$0x1];
	p0 =	sne.s32 s2, $0x0  }
0x2c: {  	s3 =	rddreg [dreg:$0x2];
	[bflag:$0x3] =	sbarrier.arrive $0xFFFF;
	s2 =	simm.s32 @!p0 $0x1C02  }
0x2d: {  	[timem:s3], [sflag:s2] =	dma.local @!p0 [hbm:s0], s1  }
0x2e: {  	s0 =	simm.s32 @!p0 $0x2  }
0x2f: {  	_ =	swait.ge @!p0 [sflag:s0], s1  }
0x30: {  	s1 =	ssub.s32 @!p0 $0x0, s1;
	[sflag:s0] =	ssyncset.done @!p0 $0x0  }
0x31: {  	[sflag:s0] =	ssyncadd.s32 @!p0 s1  }
0x32: {  	[bflag:$0x3] =	sbarrier.arrive $0xFFFF  }
0x33: {  	_ =	shalt  }

// kernel: kernel.15.cloned.1.call-start
scs
__scs_entry_jumppad:
0x0: {  	(pc) =	sbr.rel $0x88, $3  }
0x1: {  	(tag) =	ssettag $0x0;
	lr =	simm.s32 $0x1  }
0x2: {  	[smem:$0x3F8A] =	sst lr;
	_ =	strace $0xD0000000  }
0x3: {  	_ = 	snop  }
0x4: {  	_ = 	snop  }
0x5: {  	_ = 	snop  }
0x6: {  	_ = 	snop  }
0x7: {  	_ = 	snop  }
__scs_overlays_trampoline_lowered:
0x8: {  	[smem:$0x3F99] =	sst s0  }
0x9: {  	[smem:$0x3F9A] =	sst s1  }
0xa: {  	[smem:$0x3F9B] =	sst s2  }
0xb: {  	[smem:$0x3F9C] =	sst s3  }
0xc: {  	[smem:$0x3F9D] =	sst s4  }
0xd: {  	[smem:$0x3F9E] =	sst s5  }
0xe: {  	[smem:$0x3F9F] =	sst s6  }
0xf: {  	[smem:$0x3FA0] =	sst s7  }
0x10: {  	[smem:$0x3FA1] =	sst s8  }
0x11: {  	[smem:$0x3FA2] =	sst s9;
	s0 =	simm.s32 @!p0 $0x0  }
0x12: {  	s1 =	sld [smem:$0x3F88];
	s0 =	simm.s32 @p0 $0x1  }
0x13: {  	[smem:$0x3FA3] =	sst s0;
	s0 =	simm.s32 @!p1 $0x0  }
0x14: {  	s2 =	sld [smem:$0x3F87];
	s0 =	simm.s32 @p1 $0x1  }
0x15: {  	[smem:$0x3FA4] =	sst s0;
	s0 =	simm.s32 @!p2 $0x0  }
0x16: {  	s3 =	sld [smem:$0x3FDB];
	s0 =	simm.s32 @p2 $0x1  }
0x17: {  	s4 =	simm.s32 $0x1BF5;
	[smem:$0x3FA6] =	sst s0  }
0x18: {  	s0 =	sld [smem:$0x3F89];
	_ =	swait.ge [sflag:s4], $0x0  }
0x19: {  	s7 =	sld [smem:$0x3F8A]  }
0x1a: {  	s8 =	sadd.s32 $0xFFFFE003, lr  }
0x1b: {  	s9 =	sadd.s32 $0xFFFFFEF7, lr;
	s5 =	simm.s32 $0xFFFFFFFF;
	p2 =	slt.u32 s8, $0xFFFFF086  }
0x1c: {  	p1 =	slt.u32 s9, $0xF7A;
	s5 =	simm.s32 @!p2 $0x0  }
0x1d: {  	s5 =	simm.s32 @p1 $0x1;
	p0 =	seq.s32 s7, s2  }
0x1e: {  	s7 =	smul.u32 @!p0 $0xF7A, s2;
	p2 =	seq.s32 @!p0 s5, $0x0  }
0x1f: {  	s9 =	smul.u32 $0xF7A, s1;
	s8 =	simm.s32 @!p0 $0x1BF5;
	p2 =	por !p2, p0  }
0x20: {  	[sflag:s8] =	ssyncset.s32 @!p0 $0xFFFFF086;
	s6 =	sadd.s32 @!p0 s3, s7;
	s7 =	simm.s32 @!p0 $0x108  }
0x21: {  	s3 =	sadd.s32 s3, s9;
	s6 =	sadd.s32 @!p0 $0x88, s6;
	s7 =	simm.s32 @p2 $0x1082  }
0x22: {  	[simem:s7], [sflag:s8] =	dma.local @!p0 [hbm:s6], $0xF7A  }
0x23: {  	s9 =	sor.u32 $0xD0000000, s2;
	s6 =	simm.s32 $0x108;
	_ =	swait.ge @!p0 [sflag:s8], $0x0  }
0x24: {  	s3 =	sadd.s32 $0x88, s3;
	s6 =	simm.s32 @!p1 $0x1082;
	[sflag:s4] =	ssyncset.s32 $0xFFFFF086  }
0x25: {  	[simem:s6], [sflag:s4] =	dma.local [hbm:s3], $0xF7A  }
0x26: {  	[smem:$0x3F8A] =	sst s1;
	(tag) =	ssettag s2;
	_ =	strace s9  }
0x27: {  	s1 =	sld [smem:$0x3F9A]  }
0x28: {  	s2 =	sld [smem:$0x3F9B]  }
0x29: {  	s4 =	sld [smem:$0x3F9D]  }
0x2a: {  	p0 =	seq.s32 s5, $0x0;
	s5 =	sld [smem:$0x3F9E]  }
0x2b: {  	s6 =	sld [smem:$0x3F9F]  }
0x2c: {  	s7 =	sld [smem:$0x3FA0]  }
0x2d: {  	s3 =	simm.s32 $0x108;
	s8 =	sld [smem:$0x3FA1]  }
0x2e: {  	s3 =	simm.s32 @!p0 $0x1082;
	s9 =	sld [smem:$0x3FA2]  }
0x2f: {  	lr =	sadd.s32 s0, s3;
	s0 =	sld [smem:$0x3F99]  }
0x30: {  	s3 =	sld [smem:$0x3F9C]  }
0x31: {  	[smem:$0x3FA5] =	sst s10  }
0x32: {  	s10 =	sld [smem:$0x3FA3];
	_ =	sdelay $0x3  }
0x33: {  	p0 =	seq.s32 s10, $0x1;
	s10 =	sld [smem:$0x3FA5];
	_ =	sdelay $0x3  }
0x34: {  	[smem:$0x3FA5] =	sst s10  }
0x35: {  	s10 =	sld [smem:$0x3FA4];
	_ =	sdelay $0x3  }
0x36: {  	p1 =	seq.s32 s10, $0x1;
	s10 =	sld [smem:$0x3FA5];
	_ =	sdelay $0x3  }
0x37: {  	[smem:$0x3FA5] =	sst s10  }
0x38: {  	s10 =	sld [smem:$0x3FA6]  }
0x39: {  	_ = 	snop;
	(pc) =	sbr.ind lr, $3  }
0x3a: {  	_ = 	snop  }
0x3b: {  	_ = 	snop  }
0x3c: {  	p2 =	seq.s32 s10, $0x1;
	s10 =	sld [smem:$0x3FA5]  }
0x3d: {  	_ =	shalt  }
0x3e: {  	_ =	shalt  }
0x3f: {  	_ =	shalt  }
0x40: {  	_ =	shalt  }
0x41: {  	_ =	shalt  }
0x42: {  	_ =	shalt  }
0x43: {  	_ =	shalt  }
0x44: {  	_ =	shalt  }
0x45: {  	_ =	shalt  }
0x46: {  	_ =	shalt  }
0x47: {  	_ =	shalt  }
0x48: {  	_ =	shalt  }
0x49: {  	_ =	shalt  }
0x4a: {  	_ =	shalt  }
0x4b: {  	_ =	shalt  }
0x4c: {  	_ =	shalt  }
0x4d: {  	_ =	shalt  }
0x4e: {  	_ =	shalt  }
0x4f: {  	_ =	shalt  }
0x50: {  	_ =	shalt  }
0x51: {  	_ =	shalt  }
0x52: {  	_ =	shalt  }
0x53: {  	_ =	shalt  }
0x54: {  	_ =	shalt  }
0x55: {  	_ =	shalt  }
0x56: {  	_ =	shalt  }
0x57: {  	_ =	shalt  }
0x58: {  	_ =	shalt  }
0x59: {  	_ =	shalt  }
0x5a: {  	_ =	shalt  }
0x5b: {  	_ =	shalt  }
0x5c: {  	_ =	shalt  }
0x5d: {  	_ =	shalt  }
0x5e: {  	_ =	shalt  }
0x5f: {  	_ =	shalt  }
0x60: {  	_ =	shalt  }
0x61: {  	_ =	shalt  }
0x62: {  	_ =	shalt  }
0x63: {  	_ =	shalt  }
0x64: {  	_ =	shalt  }
0x65: {  	_ =	shalt  }
0x66: {  	_ =	shalt  }
0x67: {  	_ =	shalt  }
0x68: {  	_ =	shalt  }
0x69: {  	_ =	shalt  }
0x6a: {  	_ =	shalt  }
0x6b: {  	_ =	shalt  }
0x6c: {  	_ =	shalt  }
0x6d: {  	_ =	shalt  }
0x6e: {  	_ =	shalt  }
0x6f: {  	_ =	shalt  }
0x70: {  	_ =	shalt  }
0x71: {  	_ =	shalt  }
0x72: {  	_ =	shalt  }
0x73: {  	_ =	shalt  }
0x74: {  	_ =	shalt  }
0x75: {  	_ =	shalt  }
0x76: {  	_ =	shalt  }
0x77: {  	_ =	shalt  }
0x78: {  	_ =	shalt  }
0x79: {  	_ =	shalt  }
0x7a: {  	_ =	shalt  }
0x7b: {  	_ =	shalt  }
0x7c: {  	_ =	shalt  }
0x7d: {  	_ =	shalt  }
0x7e: {  	_ =	shalt  }
0x7f: {  	_ =	shalt  }
0x80: {  	_ =	shalt  }
0x81: {  	_ =	shalt  }
0x82: {  	_ =	shalt  }
0x83: {  	_ =	shalt  }
0x84: {  	_ =	shalt  }
0x85: {  	_ =	shalt  }
0x86: {  	_ =	shalt  }
0x87: {  	_ =	shalt  }
.Lfunc_end0:
.L_simem_size_0:
called_computation.1_lowered:
.L_overlay_start_0:
0x88: {  	s2 =	sld [smem:$0x3FD9]  }
0x89: {  	s3 =	sld [smem:$0x3FFE];
	_ =	sdelay $0x1  }
0x8a: {  	s1 =	srdreg.scid  }
0x8b: {  	s0 =	sand.u32 $0x1, s1  }
0x8c: {  	s16 =	sshll.u32 s0, $0xA;
	s2 =	sadd.s32 s3, s2  }
0x8d: {  	s2 =	sadd.s32 s2, s16  }
0x8e: {  	[smem:$0x3FB1] =	sst s2  }
0x8f: {  	_ = 	snop  }
0x90: {  	(tm) =	ssettm $0x1  }
0x91: {  	s17 =	sld [smem:$0x3FFB];
	_ =	sdelay $0x3  }
0x92: {  	_ =	strace s17  }
0x93: {  	s2 =	sld [smem:$0x3FFC];
	_ =	sdelay $0x3  }
0x94: {  	_ =	strace s2  }
0x95: {  	s2 =	sld [smem:$0x3FFD];
	_ =	sdelay $0x3  }
0x96: {  	_ =	strace s2  }
0x97: {  	_ =	strace $0x8FFFFFFF  }
0x98: {  	s18 =	sld [smem:$0x3FDB];
	_ =	sdelay $0x1  }
0x99: {  	s19 =	simm.s32 $_scs_section_size  }
0x9a: {  	s4 =	simm.s32 $_size__tile_overlayer_lowered;
	s5 =	simm.s32 $_tile_overlayer_lowered  }
0x9b: {  	s22 =	simm.s32 $0x1BFF;
	s21 =	sshll.u32 s5, $0x1;
	s2 =	sadd.s32 s19, s18  }
0x9c: {  	s6 =	simm.s32 $0x0;
	s20 =	sshll.u32 s4, $0x1;
	s4 =	sadd.s32 s21, s2  }
0x9d: {  	[timem:s6], [sflag:s22] =	dma.local [hbm:s4], s20  }
0x9e: {  	_ =	swait.ge [sflag:s22], s20  }
0x9f: {  	s3 =	ssub.s32 $0x0, s20;
	[sflag:s22] =	ssyncset.done $0x0  }
0xa0: {  	[sflag:s22] =	ssyncadd.s32 s3;
	_ =	sdelay $0x1  }
0xa1: {  	s23 =	simm.s32 $0x1B8B  }
0xa2: {  	_ =	swait.ge [sflag:s23], $0x1  }
0xa3: {  	[sflag:s23] =	ssyncset.done $0x0  }
0xa4: {  	s25 =	simm.s32 $0x1B8E;
	s24 =	sld [smem:$0x3FFE];
	[sflag:s23] =	ssyncadd.s32 $0xFFFFFFFF  }
0xa5: {  	s26 =	simm.s32 $execute0_lowered;
	[smem:$0x3FD2] =	sst s25  }
0xa6: {  	s4 =	sshll.u32 s26, $0x1;
	_ =	strace $0x80000049;
	[dreg:$0x1] =	wrdreg $0xFFFFFFFF  }
0xa7: {  	s28 =	simm.s32 $_size_execute0_lowered;
	s2 =	sadd.s32 s2, s4;
	[dreg:$0x0] =	wrdreg $0x0  }
0xa8: {  	s4 =	sshll.u32 s28, $0x1;
	[dreg:$0x2] =	wrdreg s2  }
0xa9: {  	[dreg:$0x3] =	wrdreg s4  }
0xaa: {  	[dreg:$0x4] =	wrdreg $0xC0  }
0xab: {  	_ =	task [dreg:s6], $0x5FFFF  }
0xac: {  	[dreg:$0x1] =	wrdreg $0xFFFFFFFF  }
0xad: {  	[dreg:$0x0] =	wrdreg $0x60  }
0xae: {  	[dreg:$0x2] =	wrdreg s24  }
0xaf: {  	[dreg:$0x3] =	wrdreg $0x183200  }
0xb0: {  	[dreg:$0x4] =	wrdreg $0x1AA400  }
0xb1: {  	[dreg:$0x5] =	wrdreg $0x9  }
0xb2: {  	_ =	task.clear_ibuf [dreg:s6], $0x6FFFF;
	_ =	strace $0x90000049  }
0xb3: {  	s29 =	simm.s32 $0x9;
	_ =	strace $0x8000004B  }
0xb4: {  	_ =	swait.ge [sflag:s29], $0x1  }
0xb5: {  	[sflag:s29] =	ssyncadd.s32 $0xFFFFFFFF  }
0xb6: {  	_ =	strace $0x9000004B  }
0xb7: {  	_ =	sfence  }
0xb8: {  	s30 =	sld [smem:$0x0];
	_ =	sdelay $0x2  }
0xb9: {  	s31 =	sshll.u32 s1, $0xD;
	s1 =	sshrl.u32 s1, $0x2  }
0xba: {  	s3 =	sand.u32 $0x4000, s31;
	s1 =	sadd.s32 s1, s30  }
0xbb: {  	s0 =	sor.u32 s3, s0;
	s1 =	sshll.u32 s1, $0x11  }
0xbc: {  	s0 =	sor.u32 s1, s0  }
0xbd: {  	s0 =	sadd.s32 $0x8F2B, s0  }
0xbe: {  	[sflag:s0] =	ssyncadd.remote.s32 $0x1  }
0xbf: {  	_ =	sfence.sel $0xFFFF  }
0xc0: {  	[dreg:$0x0] =	wrdreg $0xFFFFFFFF;
	(pc) =	sbr.abs _section_cstart, $3  }
0xc1: {  	[dreg:$0x1] =	wrdreg $0xFFFFFFFF  }
0xc2: {  	_ =	task.clear_ibuf [dreg:s6], $0x2FFFF;
	_ =	strace $0x9FFFFFFF  }
0xc3: {  	(tm) =	ssettm $0x7FFFFFFF  }
tec
execute0_lowered:
.L_overlay_start_1:
0x0: {  	(tag) =	ssettag $0x1  }
0x1: {  	s7 =	rddreg [dreg:$0x0]  }
0x2: {  	s2 =	rddreg [dreg:$0x1]  }
0x3: {  	s3 =	rddreg [dreg:$0x2];
	s4 =	srdreg.scid  }
0x4: {  	s0 =	rddreg [dreg:$0x3];
	s1 =	stileid.u32  }
0x5: {  	s13 =	simm.s32 $0x4;
	s14 =	simm.s32 $0x1;
	s15 =	simm.s32 $0x80  }
0x6: {  	s16 =	simm.s32 $0x15400;
	s17 =	simm.s32 $0x2;
	s18 =	simm.s32 $0x3  }
0x7: {  	s5 =	sand.u32 $0x1, s4;
	s4 =	simm.s32 $0x0;
	s8 =	smul.u32 $0x2720, s1  }
0x8: {  	s6 =	sshll.u32 s5, $0x4;
	[smem:$0x7FF] =	sst s4;
	s9 =	smul.u32 $0x27200, s5  }
0x9: {  	s5 =	ssub.s32 $0x2, s5;
	s6 =	sor.u32 s1, s6;
	_ =	strace $0x8000004A  }
0xa: {  	s11 =	sshrl.u32 s5, $0x1;
	s10 =	smul.u32 $0x2800, s6;
	s9 =	sadd.s32 s8, s9  }
0xb: {  	s6 =	smul.u32 $0x1400, s6;
	s11 =	ssub.s32 s5, s11;
	s5 =	sadd.s32 s8, s2  }
0xc: {  	s9 =	sshrl.u32 s9, $0x3;
	s11 =	smax.u32 s11, $0x1;
	s10 =	sadd.s32 s10, s7  }
0xd: {  	s12 =	sadd.s32 s9, s7;
	s31 =	sshrl.u32 s6, $0x3;
	s6 =	sadd.s32 s8, s3  }
0xe: {  	s7 =	sadd.s32 s7, s31;
	s8 =	sadd.s32 $0x13800, s10;
	s9 =	sadd.s32 $0x63800, s12  }
0xf: {  	v0 =	vimm.f32 $0.0e+00;
	v1 =	vimm.f32 $1.000000000e+00;
	s10 =	sadd.s32 $0x6D600, s12;
	s12 =	simm.s32 $0x15C00;
	s7 =	sadd.s32 $0x9800, s7  }
.LBB2_1:
0x10: {  	s19 =	simm.s32 $0x0  }
.LBB2_2:
0x11: {  	p0 =	sne.s32 s19, $0x9C40  }
.Ltmp0:
0x12: {  	_ = 	snop;
	(pc) =	sbr.rel @p0 .LBB2_2-.Ltmp0, $3  }
0x13: {  	_ =	sdelay $0x1  }
0x14: {  	s20 =	sshra.s32 s19, $0x2  }
0x15: {  	s19 =	sadd.s32 $0x40, s19;
	[tilespmem:s20+$0x15C00] =	vst v0  }
0x16: {  	s19 =	simm.s32 $0x40;
	s20 =	simm.s32 $0x0  }
.LBB2_4:
0x17: {  	p0 =	sne.s32 s19, $0x1FC0;
	[tilespmem:s20+$0x15400] =	vst v1;
	s20 =	smov.u32 s19;
	s19 =	sadd.s32 $0x40, s19  }
.Ltmp1:
0x18: {  	(pc) =	sbr.rel @p0 .LBB2_4-.Ltmp1, $2  }
0x19: {  	_ =	sdelay $0x2  }
0x1a: {  	s20 =	sshra.s32 s20, $0x2  }
0x1b: {  	[tilespmem:s20+$0x15400] =	vst v1  }
0x1c: {  	[spmem:s5] =	stream.linear.scatter [tilespmem:s12], [sflag:$0x4], $0x2720, $0x38;
	[tilespmem:$0x1D160] =	vst v63  }
0x1d: {  	_ =	swait.ge [sflag:s13], $0x2720  }
0x1e: {  	[sflag:s13] =	ssyncset.done $0x0  }
0x1f: {  	[sflag:s13] =	ssyncadd.s32 $0xFFFFD8E0  }
0x20: {  	[spmem:s6] =	stream.linear.scatter [tilespmem:s12], [sflag:$0x4], $0x2720, $0x38;
	[tilespmem:$0x1D160] =	vst v63  }
0x21: {  	_ =	swait.ge [sflag:s13], $0x2720  }
0x22: {  	[sflag:s13] =	ssyncset.done $0x0  }
0x23: {  	s19 =	simm.s32 $0x0;
	[sflag:s13] =	ssyncadd.s32 $0xFFFFD8E0  }
0x24: {  	[tilespmem:s19], [sflag:$0x4] =	stream.linear.gather [hbm4b:s7+s19], $0x1400, $0x38;
	[tilespmem:$0x1D160] =	vst v63  }
0x25: {  	_ =	swait.ge [sflag:s13], $0x1400  }
0x26: {  	[sflag:s13] =	ssyncset.done $0x0  }
0x27: {  	s31 =	simm.s32 $0x1400;
	[sflag:s13] =	ssyncadd.s32 $0xFFFFEC00  }
0x28: {  	[tilespmem:s31], [sflag:$0x1] =	stream.linear.gather [hbm4b:s8+s19], $0x14000, $0x38;
	[tilespmem:$0x1D160] =	vst v63  }
0x29: {  	_ =	swait.ge [sflag:s14], $0x14000  }
0x2a: {  	[sflag:s14] =	ssyncset.done $0x0  }
0x2b: {  	s21 =	simm.s32 $0x0;
	[sflag:s14] =	ssyncadd.s32 $0xFFFEC000  }
0x2c: {  	s20 =	simm.s32 $0x1C00;
	s19 =	simm.s32 $0x200;
	[bflag:$0x0] =	sbarrier.arrive $0xFFFF  }
0x2d: {  	[spmem:s2] =	stream.indirect.scatter.add.f32 [tilespmem:s31], [sflag:$0x2], $0x10, s21, s15, $0xb8;
	[tilespmem:$0x1D160] =	vst v63  }
.LBB2_6:
0x2e: {  	[spmem:s3] =	stream.indirect.scatter.add.f32 [tilespmem:s16], [sflag:$0x3], $0x10, s21, s15, $0xb8;
	[tilespmem:$0x1D160] =	vst v63  }
0x2f: {  	s21 =	smov.u32 s19;
	p0 =	sne.s32 s19, $0x4E00  }
.Ltmp2:
0x30: {  	s19 =	sadd.s32 $0x200, s19;
	(pc) =	sbr.rel @p0 .LBB2_6-.Ltmp2, $4  }
0x31: {  	_ = 	snop  }
0x32: {  	s21 =	sshra.s32 s21, $0x2  }
0x33: {  	[spmem:s2] =	stream.indirect.scatter.add.f32 [tilespmem:s20], [sflag:$0x2], $0x10, s21, s15, $0xb8;
	[tilespmem:$0x1D160] =	vst v63  }
0x34: {  	s20 =	sadd.s32 $0x800, s20  }
0x35: {  	[spmem:s3] =	stream.indirect.scatter.add.f32 [tilespmem:s16], [sflag:$0x3], $0x10, s21, s15, $0xb8;
	[tilespmem:$0x1D160] =	vst v63  }
0x36: {  	_ =	swait.ge [sflag:s17], $0x14000  }
0x37: {  	[sflag:s17] =	ssyncset.done $0x0  }
0x38: {  	[sflag:s17] =	ssyncadd.s32 $0xFFFEC000  }
0x39: {  	_ =	swait.ge [sflag:s18], $0x14000  }
0x3a: {  	[sflag:s18] =	ssyncset.done $0x0  }
0x3b: {  	s19 =	sshll.u32 s1, $0x6;
	[sflag:s18] =	ssyncadd.s32 $0xFFFEC000  }
0x3c: {  	s20 =	sshrl.u32 s5, $0x3;
	s19 =	sor.u32 $0x1C04, s19;
	[bflag:$0x0] =	sbarrier.arrive $0xFFFF  }
0x3d: {  	[hbm:s9], [sflag:s19] =	dma.local [spmem:s20], $0x4E4  }
0x3e: {  	s4 =	sadd.s32 $0x1, s4;
	_ =	swait.ge [sflag:s13], $0x4E4  }
0x3f: {  	p0 =	sne.s32 s4, s11;
	[sflag:s13] =	ssyncset.done $0x0  }
.Ltmp3:
0x40: {  	s31 =	sshrl.u32 s6, $0x3;
	[sflag:s13] =	ssyncadd.s32 $0xFFFFFB1C;
	(pc) =	sbr.rel @p0 .LBB2_1-.Ltmp3, $4  }
0x41: {  	[hbm:s10], [sflag:s19] =	dma.local [spmem:s31], $0x4E4  }
0x42: {  	_ =	swait.ge [sflag:s13], $0x4E4  }
0x43: {  	[sflag:s13] =	ssyncset.done $0x0  }
0x44: {  	[sflag:s13] =	ssyncadd.s32 $0xFFFFFB1C  }
0x45: {  	_ =	sfence.sel $0x180000  }
0x46: {  	[bflag:$0x0] =	sbarrier.arrive $0xFFFF  }
0x47: {  	p0 =	sne.s32 s1, $0x0;
	_ =	strace $0x9000004A  }
0x48: {  	s0 =	sadd.s32 @!p0 $0x100000, s0;
	[bflag:$0x2] =	sbarrier.arrive $0xFFFF  }
0x49: {  	[sflag:s0] =	ssyncadd.tile.s32 @!p0 $0x1;
	_ =	shalt  }
.Lfunc_end2:
_tile_overlayer_lowered:
.L_overlay_start_2:
0x4a: {  	(tag) =	ssettag $0x2  }
0x4b: {  	s0 =	rddreg [dreg:$0x0];
	s2 =	stileid.u32  }
0x4c: {  	s1 =	rddreg [dreg:$0x1];
	p0 =	sne.s32 s2, $0x0  }
0x4d: {  	s3 =	rddreg [dreg:$0x2];
	[bflag:$0x3] =	sbarrier.arrive $0xFFFF;
	s2 =	simm.s32 @!p0 $0x1C04  }
0x4e: {  	[timem:s3], [sflag:s2] =	dma.local @!p0 [hbm:s0], s1  }
0x4f: {  	s0 =	simm.s32 @!p0 $0x4  }
0x50: {  	_ =	swait.ge @!p0 [sflag:s0], s1  }
0x51: {  	s1 =	ssub.s32 @!p0 $0x0, s1;
	[sflag:s0] =	ssyncset.done @!p0 $0x0  }
0x52: {  	[sflag:s0] =	ssyncadd.s32 @!p0 s1  }
0x53: {  	[bflag:$0x3] =	sbarrier.arrive $0xFFFF  }
0x54: {  	_ =	shalt  }

// kernel: kernel.18.cloned.1.call-start
scs
__scs_entry_jumppad:
0x0: {  	(pc) =	sbr.rel $0x88, $3  }
0x1: {  	(tag) =	ssettag $0x0;
	lr =	simm.s32 $0x1  }
0x2: {  	[smem:$0x3F8A] =	sst lr;
	_ =	strace $0xD0000000  }
0x3: {  	_ = 	snop  }
0x4: {  	_ = 	snop  }
0x5: {  	_ = 	snop  }
0x6: {  	_ = 	snop  }
0x7: {  	_ = 	snop  }
__scs_overlays_trampoline_lowered:
0x8: {  	[smem:$0x3F99] =	sst s0  }
0x9: {  	[smem:$0x3F9A] =	sst s1  }
0xa: {  	[smem:$0x3F9B] =	sst s2  }
0xb: {  	[smem:$0x3F9C] =	sst s3  }
0xc: {  	[smem:$0x3F9D] =	sst s4  }
0xd: {  	[smem:$0x3F9E] =	sst s5  }
0xe: {  	[smem:$0x3F9F] =	sst s6  }
0xf: {  	[smem:$0x3FA0] =	sst s7  }
0x10: {  	[smem:$0x3FA1] =	sst s8  }
0x11: {  	[smem:$0x3FA2] =	sst s9;
	s0 =	simm.s32 @!p0 $0x0  }
0x12: {  	s1 =	sld [smem:$0x3F88];
	s0 =	simm.s32 @p0 $0x1  }
0x13: {  	[smem:$0x3FA3] =	sst s0;
	s0 =	simm.s32 @!p1 $0x0  }
0x14: {  	s2 =	sld [smem:$0x3F87];
	s0 =	simm.s32 @p1 $0x1  }
0x15: {  	[smem:$0x3FA4] =	sst s0;
	s0 =	simm.s32 @!p2 $0x0  }
0x16: {  	s3 =	sld [smem:$0x3FDB];
	s0 =	simm.s32 @p2 $0x1  }
0x17: {  	s4 =	simm.s32 $0x1BF5;
	[smem:$0x3FA6] =	sst s0  }
0x18: {  	s0 =	sld [smem:$0x3F89];
	_ =	swait.ge [sflag:s4], $0x0  }
0x19: {  	s7 =	sld [smem:$0x3F8A]  }
0x1a: {  	s8 =	sadd.s32 $0xFFFFE003, lr  }
0x1b: {  	s9 =	sadd.s32 $0xFFFFFEF7, lr;
	s5 =	simm.s32 $0xFFFFFFFF;
	p2 =	slt.u32 s8, $0xFFFFF086  }
0x1c: {  	p1 =	slt.u32 s9, $0xF7A;
	s5 =	simm.s32 @!p2 $0x0  }
0x1d: {  	s5 =	simm.s32 @p1 $0x1;
	p0 =	seq.s32 s7, s2  }
0x1e: {  	s7 =	smul.u32 @!p0 $0xF7A, s2;
	p2 =	seq.s32 @!p0 s5, $0x0  }
0x1f: {  	s9 =	smul.u32 $0xF7A, s1;
	s8 =	simm.s32 @!p0 $0x1BF5;
	p2 =	por !p2, p0  }
0x20: {  	[sflag:s8] =	ssyncset.s32 @!p0 $0xFFFFF086;
	s6 =	sadd.s32 @!p0 s3, s7;
	s7 =	simm.s32 @!p0 $0x108  }
0x21: {  	s3 =	sadd.s32 s3, s9;
	s6 =	sadd.s32 @!p0 $0x88, s6;
	s7 =	simm.s32 @p2 $0x1082  }
0x22: {  	[simem:s7], [sflag:s8] =	dma.local @!p0 [hbm:s6], $0xF7A  }
0x23: {  	s9 =	sor.u32 $0xD0000000, s2;
	s6 =	simm.s32 $0x108;
	_ =	swait.ge @!p0 [sflag:s8], $0x0  }
0x24: {  	s3 =	sadd.s32 $0x88, s3;
	s6 =	simm.s32 @!p1 $0x1082;
	[sflag:s4] =	ssyncset.s32 $0xFFFFF086  }
0x25: {  	[simem:s6], [sflag:s4] =	dma.local [hbm:s3], $0xF7A  }
0x26: {  	[smem:$0x3F8A] =	sst s1;
	(tag) =	ssettag s2;
	_ =	strace s9  }
0x27: {  	s1 =	sld [smem:$0x3F9A]  }
0x28: {  	s2 =	sld [smem:$0x3F9B]  }
0x29: {  	s4 =	sld [smem:$0x3F9D]  }
0x2a: {  	p0 =	seq.s32 s5, $0x0;
	s5 =	sld [smem:$0x3F9E]  }
0x2b: {  	s6 =	sld [smem:$0x3F9F]  }
0x2c: {  	s7 =	sld [smem:$0x3FA0]  }
0x2d: {  	s3 =	simm.s32 $0x108;
	s8 =	sld [smem:$0x3FA1]  }
0x2e: {  	s3 =	simm.s32 @!p0 $0x1082;
	s9 =	sld [smem:$0x3FA2]  }
0x2f: {  	lr =	sadd.s32 s0, s3;
	s0 =	sld [smem:$0x3F99]  }
0x30: {  	s3 =	sld [smem:$0x3F9C]  }
0x31: {  	[smem:$0x3FA5] =	sst s10  }
0x32: {  	s10 =	sld [smem:$0x3FA3];
	_ =	sdelay $0x3  }
0x33: {  	p0 =	seq.s32 s10, $0x1;
	s10 =	sld [smem:$0x3FA5];
	_ =	sdelay $0x3  }
0x34: {  	[smem:$0x3FA5] =	sst s10  }
0x35: {  	s10 =	sld [smem:$0x3FA4];
	_ =	sdelay $0x3  }
0x36: {  	p1 =	seq.s32 s10, $0x1;
	s10 =	sld [smem:$0x3FA5];
	_ =	sdelay $0x3  }
0x37: {  	[smem:$0x3FA5] =	sst s10  }
0x38: {  	s10 =	sld [smem:$0x3FA6]  }
0x39: {  	_ = 	snop;
	(pc) =	sbr.ind lr, $3  }
0x3a: {  	_ = 	snop  }
0x3b: {  	_ = 	snop  }
0x3c: {  	p2 =	seq.s32 s10, $0x1;
	s10 =	sld [smem:$0x3FA5]  }
0x3d: {  	_ =	shalt  }
0x3e: {  	_ =	shalt  }
0x3f: {  	_ =	shalt  }
0x40: {  	_ =	shalt  }
0x41: {  	_ =	shalt  }
0x42: {  	_ =	shalt  }
0x43: {  	_ =	shalt  }
0x44: {  	_ =	shalt  }
0x45: {  	_ =	shalt  }
0x46: {  	_ =	shalt  }
0x47: {  	_ =	shalt  }
0x48: {  	_ =	shalt  }
0x49: {  	_ =	shalt  }
0x4a: {  	_ =	shalt  }
0x4b: {  	_ =	shalt  }
0x4c: {  	_ =	shalt  }
0x4d: {  	_ =	shalt  }
0x4e: {  	_ =	shalt  }
0x4f: {  	_ =	shalt  }
0x50: {  	_ =	shalt  }
0x51: {  	_ =	shalt  }
0x52: {  	_ =	shalt  }
0x53: {  	_ =	shalt  }
0x54: {  	_ =	shalt  }
0x55: {  	_ =	shalt  }
0x56: {  	_ =	shalt  }
0x57: {  	_ =	shalt  }
0x58: {  	_ =	shalt  }
0x59: {  	_ =	shalt  }
0x5a: {  	_ =	shalt  }
0x5b: {  	_ =	shalt  }
0x5c: {  	_ =	shalt  }
0x5d: {  	_ =	shalt  }
0x5e: {  	_ =	shalt  }
0x5f: {  	_ =	shalt  }
0x60: {  	_ =	shalt  }
0x61: {  	_ =	shalt  }
0x62: {  	_ =	shalt  }
0x63: {  	_ =	shalt  }
0x64: {  	_ =	shalt  }
0x65: {  	_ =	shalt  }
0x66: {  	_ =	shalt  }
0x67: {  	_ =	shalt  }
0x68: {  	_ =	shalt  }
0x69: {  	_ =	shalt  }
0x6a: {  	_ =	shalt  }
0x6b: {  	_ =	shalt  }
0x6c: {  	_ =	shalt  }
0x6d: {  	_ =	shalt  }
0x6e: {  	_ =	shalt  }
0x6f: {  	_ =	shalt  }
0x70: {  	_ =	shalt  }
0x71: {  	_ =	shalt  }
0x72: {  	_ =	shalt  }
0x73: {  	_ =	shalt  }
0x74: {  	_ =	shalt  }
0x75: {  	_ =	shalt  }
0x76: {  	_ =	shalt  }
0x77: {  	_ =	shalt  }
0x78: {  	_ =	shalt  }
0x79: {  	_ =	shalt  }
0x7a: {  	_ =	shalt  }
0x7b: {  	_ =	shalt  }
0x7c: {  	_ =	shalt  }
0x7d: {  	_ =	shalt  }
0x7e: {  	_ =	shalt  }
0x7f: {  	_ =	shalt  }
0x80: {  	_ =	shalt  }
0x81: {  	_ =	shalt  }
0x82: {  	_ =	shalt  }
0x83: {  	_ =	shalt  }
0x84: {  	_ =	shalt  }
0x85: {  	_ =	shalt  }
0x86: {  	_ =	shalt  }
0x87: {  	_ =	shalt  }
.Lfunc_end0:
.L_simem_size_0:
called_computation.2_lowered:
.L_overlay_start_0:
0x88: {  	s2 =	sld [smem:$0x3FD9]  }
0x89: {  	s3 =	sld [smem:$0x3FFE];
	_ =	sdelay $0x1  }
0x8a: {  	s1 =	srdreg.scid  }
0x8b: {  	s0 =	sand.u32 $0x1, s1  }
0x8c: {  	s16 =	sshll.u32 s0, $0xA;
	s2 =	sadd.s32 s3, s2  }
0x8d: {  	s2 =	sadd.s32 s2, s16  }
0x8e: {  	[smem:$0x3FB1] =	sst s2  }
0x8f: {  	_ = 	snop  }
0x90: {  	(tm) =	ssettm $0x1  }
0x91: {  	s17 =	sld [smem:$0x3FFB];
	_ =	sdelay $0x3  }
0x92: {  	_ =	strace s17  }
0x93: {  	s2 =	sld [smem:$0x3FFC];
	_ =	sdelay $0x3  }
0x94: {  	_ =	strace s2  }
0x95: {  	s2 =	sld [smem:$0x3FFD];
	_ =	sdelay $0x3  }
0x96: {  	_ =	strace s2  }
0x97: {  	_ =	strace $0x8FFFFFFF  }
0x98: {  	s18 =	sld [smem:$0x3FDB];
	_ =	sdelay $0x1  }
0x99: {  	s19 =	simm.s32 $_scs_section_size  }
0x9a: {  	s4 =	simm.s32 $_size__tile_overlayer_lowered;
	s5 =	simm.s32 $_tile_overlayer_lowered  }
0x9b: {  	s22 =	simm.s32 $0x1BFF;
	s21 =	sshll.u32 s5, $0x1;
	s2 =	sadd.s32 s19, s18  }
0x9c: {  	s6 =	simm.s32 $0x0;
	s20 =	sshll.u32 s4, $0x1;
	s4 =	sadd.s32 s21, s2  }
0x9d: {  	[timem:s6], [sflag:s22] =	dma.local [hbm:s4], s20  }
0x9e: {  	_ =	swait.ge [sflag:s22], s20  }
0x9f: {  	s3 =	ssub.s32 $0x0, s20;
	[sflag:s22] =	ssyncset.done $0x0  }
0xa0: {  	[sflag:s22] =	ssyncadd.s32 s3;
	_ =	sdelay $0x1  }
0xa1: {  	s23 =	simm.s32 $0x1B8B  }
0xa2: {  	_ =	swait.ge [sflag:s23], $0x1  }
0xa3: {  	[sflag:s23] =	ssyncset.done $0x0  }
0xa4: {  	s25 =	simm.s32 $0x1B8E;
	s24 =	sld [smem:$0x3FFE];
	[sflag:s23] =	ssyncadd.s32 $0xFFFFFFFF  }
0xa5: {  	s26 =	simm.s32 $execute0_lowered;
	[smem:$0x3FD2] =	sst s25  }
0xa6: {  	s4 =	sshll.u32 s26, $0x1;
	_ =	strace $0x8000004C;
	[dreg:$0x1] =	wrdreg $0xFFFFFFFF  }
0xa7: {  	s28 =	simm.s32 $_size_execute0_lowered;
	s2 =	sadd.s32 s2, s4;
	[dreg:$0x0] =	wrdreg $0x0  }
0xa8: {  	s4 =	sshll.u32 s28, $0x1;
	[dreg:$0x2] =	wrdreg s2  }
0xa9: {  	[dreg:$0x3] =	wrdreg s4  }
0xaa: {  	[dreg:$0x4] =	wrdreg $0xC0  }
0xab: {  	_ =	task [dreg:s6], $0x5FFFF  }
0xac: {  	[dreg:$0x1] =	wrdreg $0xFFFFFFFF  }
0xad: {  	[dreg:$0x0] =	wrdreg $0x60  }
0xae: {  	[dreg:$0x2] =	wrdreg s24  }
0xaf: {  	[dreg:$0x3] =	wrdreg $0x154000  }
0xb0: {  	[dreg:$0x4] =	wrdreg $0x9  }
0xb1: {  	_ =	task.clear_ibuf [dreg:s6], $0x5FFFF;
	_ =	strace $0x9000004C  }
0xb2: {  	s29 =	simm.s32 $0x9;
	_ =	strace $0x8000004E  }
0xb3: {  	_ =	swait.ge [sflag:s29], $0x1  }
0xb4: {  	[sflag:s29] =	ssyncadd.s32 $0xFFFFFFFF  }
0xb5: {  	_ =	strace $0x9000004E  }
0xb6: {  	_ =	sfence  }
0xb7: {  	s30 =	sld [smem:$0x0];
	_ =	sdelay $0x2  }
0xb8: {  	s31 =	sshll.u32 s1, $0xD;
	s1 =	sshrl.u32 s1, $0x2  }
0xb9: {  	s3 =	sand.u32 $0x4000, s31;
	s1 =	sadd.s32 s1, s30  }
0xba: {  	s0 =	sor.u32 s3, s0;
	s1 =	sshll.u32 s1, $0x11  }
0xbb: {  	s0 =	sor.u32 s1, s0  }
0xbc: {  	s0 =	sadd.s32 $0x8F2B, s0  }
0xbd: {  	[sflag:s0] =	ssyncadd.remote.s32 $0x1  }
0xbe: {  	_ =	sfence.sel $0xFFFF  }
0xbf: {  	[dreg:$0x0] =	wrdreg $0xFFFFFFFF;
	(pc) =	sbr.abs _section_cstart, $3  }
0xc0: {  	[dreg:$0x1] =	wrdreg $0xFFFFFFFF  }
0xc1: {  	_ =	task.clear_ibuf [dreg:s6], $0x2FFFF;
	_ =	strace $0x9FFFFFFF  }
0xc2: {  	(tm) =	ssettm $0x7FFFFFFF  }
0xc3: {  	_ =	shalt  }
tec
execute0_lowered:
.L_overlay_start_1:
0x0: {  	(tag) =	ssettag $0x1  }
0x1: {  	s4 =	rddreg [dreg:$0x0]  }
0x2: {  	s1 =	rddreg [dreg:$0x1]  }
0x3: {  	s2 =	srdreg.scid;
	s0 =	rddreg [dreg:$0x2]  }
0x4: {  	s3 =	simm.s32 $0x0;
	s13 =	simm.s32 $0x1400;
	s14 =	simm.s32 $0x0  }
0x5: {  	s5 =	sand.u32 $0x1, s2;
	s2 =	stileid.u32;
	[smem:$0x7FF] =	sst s3  }
0x6: {  	s6 =	sshll.u32 s5, $0x4;
	s7 =	smul.u32 $0x2720, s2;
	_ =	strace $0x8000004D  }
0x7: {  	s5 =	ssub.s32 $0x2, s5;
	s31 =	sshll.u32 s2, $0x6;
	s6 =	sor.u32 s2, s6  }
0x8: {  	s10 =	sshrl.u32 s5, $0x1;
	s8 =	smul.u32 $0x280, s6;
	s9 =	sshrl.u32 s7, $0x3  }
0x9: {  	s6 =	smul.u32 $0x2800, s6;
	s10 =	ssub.s32 s5, s10;
	s12 =	sadd.s32 s7, s1  }
0xa: {  	s5 =	sor.u32 $0x1C02, s31;
	s9 =	sadd.s32 s9, s4;
	s8 =	sadd.s32 s8, s4  }
0xb: {  	s11 =	sadd.s32 s6, s4;
	s4 =	sadd.s32 $0xE800, s9;
	s9 =	sshrl.u32 s12, $0x3  }
0xc: {  	s12 =	simm.s32 $0x1;
	s6 =	sadd.s32 $0x4800, s8;
	s7 =	sadd.s32 $0x13800, s11  }
0xd: {  	s8 =	smax.u32 s10, $0x1;
	s10 =	simm.s32 $0x2;
	s11 =	simm.s32 $0x80  }
.LBB2_1:
0xe: {  	[spmem:s9], [sflag:s5] =	dma.local [hbm:s4], $0x4E4  }
0xf: {  	_ =	swait.ge [sflag:s10], $0x4E4  }
0x10: {  	[sflag:s10] =	ssyncset.done $0x0  }
0x11: {  	[sflag:s10] =	ssyncadd.s32 $0xFFFFFB1C  }
0x12: {  	[tilespmem:s3], [sflag:$0x2] =	stream.linear.gather [hbm4b:s6+s3], $0x1400, $0x38;
	[tilespmem:$0x17B20] =	vst v63  }
0x13: {  	_ =	swait.ge [sflag:s10], $0x1400  }
0x14: {  	[sflag:s10] =	ssyncset.done $0x0  }
0x15: {  	s15 =	simm.s32 $0x200;
	s18 =	simm.s32 $0x0;
	[sflag:s10] =	ssyncadd.s32 $0xFFFFEC00  }
0x16: {  	s16 =	simm.s32 $0x1C00;
	s17 =	simm.s32 $0x1400;
	[bflag:$0x0] =	sbarrier.arrive $0xFFFF  }
.LBB2_2:
0x17: {  	[tilespmem:s17], [sflag:$0x1] =	stream.indirect.gather [spmem:s1], $0x10, s18, s11, $0xb8;
	[tilespmem:$0x17B20] =	vst v63  }
0x18: {  	s18 =	smov.u32 s15;
	s17 =	smov.u32 s16;
	p0 =	sne.s32 s15, $0x4E00  }
.Ltmp0:
0x19: {  	s15 =	sadd.s32 $0x200, s15;
	(pc) =	sbr.rel @p0 .LBB2_2-.Ltmp0, $2  }
0x1a: {  	_ =	sdelay $0x2  }
0x1b: {  	s16 =	sadd.s32 $0x800, s16;
	s18 =	sshra.s32 s18, $0x2  }
0x1c: {  	[tilespmem:s17], [sflag:$0x1] =	stream.indirect.gather [spmem:s1], $0x10, s18, s11, $0xb8;
	[tilespmem:$0x17B20] =	vst v63  }
0x1d: {  	s14 =	sadd.s32 $0x1, s14;
	_ =	swait.ge [sflag:s12], $0x14000  }
0x1e: {  	p0 =	sne.s32 s14, s8;
	[sflag:s12] =	ssyncset.done $0x0  }
.Ltmp1:
0x1f: {  	[sflag:s12] =	ssyncadd.s32 $0xFFFEC000;
	(pc) =	sbr.rel @p0 .LBB2_1-.Ltmp1, $4  }
0x20: {  	[hbm4b:s7+s3] =	stream.linear.scatter [tilespmem:s13], [sflag:$0x2], $0x14000, $0x38;
	[tilespmem:$0x17B20] =	vst v63  }
0x21: {  	_ =	swait.ge [sflag:s10], $0x14000  }
0x22: {  	[sflag:s10] =	ssyncset.done $0x0  }
0x23: {  	[sflag:s10] =	ssyncadd.s32 $0xFFFEC000  }
0x24: {  	_ =	sfence.sel $0x180000  }
0x25: {  	[bflag:$0x0] =	sbarrier.arrive $0xFFFF  }
0x26: {  	p0 =	sne.s32 s2, $0x0;
	_ =	strace $0x9000004D  }
0x27: {  	s0 =	sadd.s32 @!p0 $0x100000, s0;
	[bflag:$0x2] =	sbarrier.arrive $0xFFFF  }
0x28: {  	[sflag:s0] =	ssyncadd.tile.s32 @!p0 $0x1;
	_ =	shalt  }
.Lfunc_end2:
_tile_overlayer_lowered:
.L_overlay_start_2:
0x29: {  	(tag) =	ssettag $0x2  }
0x2a: {  	s0 =	rddreg [dreg:$0x0];
	s2 =	stileid.u32  }
0x2b: {  	s1 =	rddreg [dreg:$0x1];
	p0 =	sne.s32 s2, $0x0  }
0x2c: {  	s3 =	rddreg [dreg:$0x2];
	[bflag:$0x3] =	sbarrier.arrive $0xFFFF;
	s2 =	simm.s32 @!p0 $0x1C02  }
0x2d: {  	[timem:s3], [sflag:s2] =	dma.local @!p0 [hbm:s0], s1  }
0x2e: {  	s0 =	simm.s32 @!p0 $0x2  }
0x2f: {  	_ =	swait.ge @!p0 [sflag:s0], s1  }
0x30: {  	s1 =	ssub.s32 @!p0 $0x0, s1;
	[sflag:s0] =	ssyncset.done @!p0 $0x0  }
0x31: {  	[sflag:s0] =	ssyncadd.s32 @!p0 s1  }
0x32: {  	[bflag:$0x3] =	sbarrier.arrive $0xFFFF  }
0x33: {  	_ =	shalt  }

// kernel: kernel.21.cloned.1.call-start
scs
__scs_entry_jumppad:
0x0: {  	(pc) =	sbr.rel $0x88, $3  }
0x1: {  	(tag) =	ssettag $0x0;
	lr =	simm.s32 $0x1  }
0x2: {  	[smem:$0x3F8A] =	sst lr;
	_ =	strace $0xD0000000  }
0x3: {  	_ = 	snop  }
0x4: {  	_ = 	snop  }
0x5: {  	_ = 	snop  }
0x6: {  	_ = 	snop  }
0x7: {  	_ = 	snop  }
__scs_overlays_trampoline_lowered:
0x8: {  	[smem:$0x3F99] =	sst s0  }
0x9: {  	[smem:$0x3F9A] =	sst s1  }
0xa: {  	[smem:$0x3F9B] =	sst s2  }
0xb: {  	[smem:$0x3F9C] =	sst s3  }
0xc: {  	[smem:$0x3F9D] =	sst s4  }
0xd: {  	[smem:$0x3F9E] =	sst s5  }
0xe: {  	[smem:$0x3F9F] =	sst s6  }
0xf: {  	[smem:$0x3FA0] =	sst s7  }
0x10: {  	[smem:$0x3FA1] =	sst s8  }
0x11: {  	[smem:$0x3FA2] =	sst s9;
	s0 =	simm.s32 @!p0 $0x0  }
0x12: {  	s1 =	sld [smem:$0x3F88];
	s0 =	simm.s32 @p0 $0x1  }
0x13: {  	[smem:$0x3FA3] =	sst s0;
	s0 =	simm.s32 @!p1 $0x0  }
0x14: {  	s2 =	sld [smem:$0x3F87];
	s0 =	simm.s32 @p1 $0x1  }
0x15: {  	[smem:$0x3FA4] =	sst s0;
	s0 =	simm.s32 @!p2 $0x0  }
0x16: {  	s3 =	sld [smem:$0x3FDB];
	s0 =	simm.s32 @p2 $0x1  }
0x17: {  	s4 =	simm.s32 $0x1BF5;
	[smem:$0x3FA6] =	sst s0  }
0x18: {  	s0 =	sld [smem:$0x3F89];
	_ =	swait.ge [sflag:s4], $0x0  }
0x19: {  	s7 =	sld [smem:$0x3F8A]  }
0x1a: {  	s8 =	sadd.s32 $0xFFFFE003, lr  }
0x1b: {  	s9 =	sadd.s32 $0xFFFFFEF7, lr;
	s5 =	simm.s32 $0xFFFFFFFF;
	p2 =	slt.u32 s8, $0xFFFFF086  }
0x1c: {  	p1 =	slt.u32 s9, $0xF7A;
	s5 =	simm.s32 @!p2 $0x0  }
0x1d: {  	s5 =	simm.s32 @p1 $0x1;
	p0 =	seq.s32 s7, s2  }
0x1e: {  	s7 =	smul.u32 @!p0 $0xF7A, s2;
	p2 =	seq.s32 @!p0 s5, $0x0  }
0x1f: {  	s9 =	smul.u32 $0xF7A, s1;
	s8 =	simm.s32 @!p0 $0x1BF5;
	p2 =	por !p2, p0  }
0x20: {  	[sflag:s8] =	ssyncset.s32 @!p0 $0xFFFFF086;
	s6 =	sadd.s32 @!p0 s3, s7;
	s7 =	simm.s32 @!p0 $0x108  }
0x21: {  	s3 =	sadd.s32 s3, s9;
	s6 =	sadd.s32 @!p0 $0x88, s6;
	s7 =	simm.s32 @p2 $0x1082  }
0x22: {  	[simem:s7], [sflag:s8] =	dma.local @!p0 [hbm:s6], $0xF7A  }
0x23: {  	s9 =	sor.u32 $0xD0000000, s2;
	s6 =	simm.s32 $0x108;
	_ =	swait.ge @!p0 [sflag:s8], $0x0  }
0x24: {  	s3 =	sadd.s32 $0x88, s3;
	s6 =	simm.s32 @!p1 $0x1082;
	[sflag:s4] =	ssyncset.s32 $0xFFFFF086  }
0x25: {  	[simem:s6], [sflag:s4] =	dma.local [hbm:s3], $0xF7A  }
0x26: {  	[smem:$0x3F8A] =	sst s1;
	(tag) =	ssettag s2;
	_ =	strace s9  }
0x27: {  	s1 =	sld [smem:$0x3F9A]  }
0x28: {  	s2 =	sld [smem:$0x3F9B]  }
0x29: {  	s4 =	sld [smem:$0x3F9D]  }
0x2a: {  	p0 =	seq.s32 s5, $0x0;
	s5 =	sld [smem:$0x3F9E]  }
0x2b: {  	s6 =	sld [smem:$0x3F9F]  }
0x2c: {  	s7 =	sld [smem:$0x3FA0]  }
0x2d: {  	s3 =	simm.s32 $0x108;
	s8 =	sld [smem:$0x3FA1]  }
0x2e: {  	s3 =	simm.s32 @!p0 $0x1082;
	s9 =	sld [smem:$0x3FA2]  }
0x2f: {  	lr =	sadd.s32 s0, s3;
	s0 =	sld [smem:$0x3F99]  }
0x30: {  	s3 =	sld [smem:$0x3F9C]  }
0x31: {  	[smem:$0x3FA5] =	sst s10  }
0x32: {  	s10 =	sld [smem:$0x3FA3];
	_ =	sdelay $0x3  }
0x33: {  	p0 =	seq.s32 s10, $0x1;
	s10 =	sld [smem:$0x3FA5];
	_ =	sdelay $0x3  }
0x34: {  	[smem:$0x3FA5] =	sst s10  }
0x35: {  	s10 =	sld [smem:$0x3FA4];
	_ =	sdelay $0x3  }
0x36: {  	p1 =	seq.s32 s10, $0x1;
	s10 =	sld [smem:$0x3FA5];
	_ =	sdelay $0x3  }
0x37: {  	[smem:$0x3FA5] =	sst s10  }
0x38: {  	s10 =	sld [smem:$0x3FA6]  }
0x39: {  	_ = 	snop;
	(pc) =	sbr.ind lr, $3  }
0x3a: {  	_ = 	snop  }
0x3b: {  	_ = 	snop  }
0x3c: {  	p2 =	seq.s32 s10, $0x1;
	s10 =	sld [smem:$0x3FA5]  }
0x3d: {  	_ =	shalt  }
0x3e: {  	_ =	shalt  }
0x3f: {  	_ =	shalt  }
0x40: {  	_ =	shalt  }
0x41: {  	_ =	shalt  }
0x42: {  	_ =	shalt  }
0x43: {  	_ =	shalt  }
0x44: {  	_ =	shalt  }
0x45: {  	_ =	shalt  }
0x46: {  	_ =	shalt  }
0x47: {  	_ =	shalt  }
0x48: {  	_ =	shalt  }
0x49: {  	_ =	shalt  }
0x4a: {  	_ =	shalt  }
0x4b: {  	_ =	shalt  }
0x4c: {  	_ =	shalt  }
0x4d: {  	_ =	shalt  }
0x4e: {  	_ =	shalt  }
0x4f: {  	_ =	shalt  }
0x50: {  	_ =	shalt  }
0x51: {  	_ =	shalt  }
0x52: {  	_ =	shalt  }
0x53: {  	_ =	shalt  }
0x54: {  	_ =	shalt  }
0x55: {  	_ =	shalt  }
0x56: {  	_ =	shalt  }
0x57: {  	_ =	shalt  }
0x58: {  	_ =	shalt  }
0x59: {  	_ =	shalt  }
0x5a: {  	_ =	shalt  }
0x5b: {  	_ =	shalt  }
0x5c: {  	_ =	shalt  }
0x5d: {  	_ =	shalt  }
0x5e: {  	_ =	shalt  }
0x5f: {  	_ =	shalt  }
0x60: {  	_ =	shalt  }
0x61: {  	_ =	shalt  }
0x62: {  	_ =	shalt  }
0x63: {  	_ =	shalt  }
0x64: {  	_ =	shalt  }
0x65: {  	_ =	shalt  }
0x66: {  	_ =	shalt  }
0x67: {  	_ =	shalt  }
0x68: {  	_ =	shalt  }
0x69: {  	_ =	shalt  }
0x6a: {  	_ =	shalt  }
0x6b: {  	_ =	shalt  }
0x6c: {  	_ =	shalt  }
0x6d: {  	_ =	shalt  }
0x6e: {  	_ =	shalt  }
0x6f: {  	_ =	shalt  }
0x70: {  	_ =	shalt  }
0x71: {  	_ =	shalt  }
0x72: {  	_ =	shalt  }
0x73: {  	_ =	shalt  }
0x74: {  	_ =	shalt  }
0x75: {  	_ =	shalt  }
0x76: {  	_ =	shalt  }
0x77: {  	_ =	shalt  }
0x78: {  	_ =	shalt  }
0x79: {  	_ =	shalt  }
0x7a: {  	_ =	shalt  }
0x7b: {  	_ =	shalt  }
0x7c: {  	_ =	shalt  }
0x7d: {  	_ =	shalt  }
0x7e: {  	_ =	shalt  }
0x7f: {  	_ =	shalt  }
0x80: {  	_ =	shalt  }
0x81: {  	_ =	shalt  }
0x82: {  	_ =	shalt  }
0x83: {  	_ =	shalt  }
0x84: {  	_ =	shalt  }
0x85: {  	_ =	shalt  }
0x86: {  	_ =	shalt  }
0x87: {  	_ =	shalt  }
.Lfunc_end0:
.L_simem_size_0:
called_computation.3_lowered:
.L_overlay_start_0:
0x88: {  	s2 =	sld [smem:$0x3FD9]  }
0x89: {  	s3 =	sld [smem:$0x3FFE];
	_ =	sdelay $0x1  }
0x8a: {  	s1 =	srdreg.scid  }
0x8b: {  	s0 =	sand.u32 $0x1, s1  }
0x8c: {  	s16 =	sshll.u32 s0, $0xA;
	s2 =	sadd.s32 s3, s2  }
0x8d: {  	s2 =	sadd.s32 s2, s16  }
0x8e: {  	[smem:$0x3FB1] =	sst s2  }
0x8f: {  	_ = 	snop  }
0x90: {  	(tm) =	ssettm $0x1  }
0x91: {  	s17 =	sld [smem:$0x3FFB];
	_ =	sdelay $0x3  }
0x92: {  	_ =	strace s17  }
0x93: {  	s2 =	sld [smem:$0x3FFC];
	_ =	sdelay $0x3  }
0x94: {  	_ =	strace s2  }
0x95: {  	s2 =	sld [smem:$0x3FFD];
	_ =	sdelay $0x3  }
0x96: {  	_ =	strace s2  }
0x97: {  	_ =	strace $0x8FFFFFFF  }
0x98: {  	s18 =	sld [smem:$0x3FDB];
	_ =	sdelay $0x1  }
0x99: {  	s19 =	simm.s32 $_scs_section_size  }
0x9a: {  	s4 =	simm.s32 $_size__tile_overlayer_lowered;
	s5 =	simm.s32 $_tile_overlayer_lowered  }
0x9b: {  	s22 =	simm.s32 $0x1BFF;
	s21 =	sshll.u32 s5, $0x1;
	s2 =	sadd.s32 s19, s18  }
0x9c: {  	s6 =	simm.s32 $0x0;
	s20 =	sshll.u32 s4, $0x1;
	s4 =	sadd.s32 s21, s2  }
0x9d: {  	[timem:s6], [sflag:s22] =	dma.local [hbm:s4], s20  }
0x9e: {  	_ =	swait.ge [sflag:s22], s20  }
0x9f: {  	s3 =	ssub.s32 $0x0, s20;
	[sflag:s22] =	ssyncset.done $0x0  }
0xa0: {  	[sflag:s22] =	ssyncadd.s32 s3;
	_ =	sdelay $0x1  }
0xa1: {  	s23 =	simm.s32 $0x1B8B  }
0xa2: {  	_ =	swait.ge [sflag:s23], $0x1  }
0xa3: {  	[sflag:s23] =	ssyncset.done $0x0  }
0xa4: {  	s25 =	simm.s32 $0x1B8E;
	s24 =	sld [smem:$0x3FFE];
	[sflag:s23] =	ssyncadd.s32 $0xFFFFFFFF  }
0xa5: {  	s26 =	simm.s32 $execute0_lowered;
	[smem:$0x3FD2] =	sst s25  }
0xa6: {  	s4 =	sshll.u32 s26, $0x1;
	_ =	strace $0x8000004F;
	[dreg:$0x1] =	wrdreg $0xFFFFFFFF  }
0xa7: {  	s28 =	simm.s32 $_size_execute0_lowered;
	s2 =	sadd.s32 s2, s4;
	[dreg:$0x0] =	wrdreg $0x0  }
0xa8: {  	s4 =	sshll.u32 s28, $0x1;
	[dreg:$0x2] =	wrdreg s2  }
0xa9: {  	[dreg:$0x3] =	wrdreg s4  }
0xaa: {  	[dreg:$0x4] =	wrdreg $0xC0  }
0xab: {  	_ =	task [dreg:s6], $0x5FFFF  }
0xac: {  	[dreg:$0x1] =	wrdreg $0xFFFFFFFF  }
0xad: {  	[dreg:$0x0] =	wrdreg $0x60  }
0xae: {  	[dreg:$0x2] =	wrdreg s24  }
0xaf: {  	[dreg:$0x3] =	wrdreg $0x17B200  }
0xb0: {  	[dreg:$0x4] =	wrdreg $0x9  }
0xb1: {  	_ =	task.clear_ibuf [dreg:s6], $0x5FFFF;
	_ =	strace $0x9000004F  }
0xb2: {  	s29 =	simm.s32 $0x9;
	_ =	strace $0x80000051  }
0xb3: {  	_ =	swait.ge [sflag:s29], $0x1  }
0xb4: {  	[sflag:s29] =	ssyncadd.s32 $0xFFFFFFFF  }
0xb5: {  	_ =	strace $0x90000051  }
0xb6: {  	_ =	sfence  }
0xb7: {  	s30 =	sld [smem:$0x0];
	_ =	sdelay $0x2  }
0xb8: {  	s31 =	sshll.u32 s1, $0xD;
	s1 =	sshrl.u32 s1, $0x2  }
0xb9: {  	s3 =	sand.u32 $0x4000, s31;
	s1 =	sadd.s32 s1, s30  }
0xba: {  	s0 =	sor.u32 s3, s0;
	s1 =	sshll.u32 s1, $0x11  }
0xbb: {  	s0 =	sor.u32 s1, s0  }
0xbc: {  	s0 =	sadd.s32 $0x8F2B, s0  }
0xbd: {  	[sflag:s0] =	ssyncadd.remote.s32 $0x1  }
0xbe: {  	_ =	sfence.sel $0xFFFF  }
0xbf: {  	[dreg:$0x0] =	wrdreg $0xFFFFFFFF;
	(pc) =	sbr.abs _section_cstart, $3  }
0xc0: {  	[dreg:$0x1] =	wrdreg $0xFFFFFFFF  }
0xc1: {  	_ =	task.clear_ibuf [dreg:s6], $0x2FFFF;
	_ =	strace $0x9FFFFFFF  }
0xc2: {  	(tm) =	ssettm $0x7FFFFFFF  }
0xc3: {  	_ =	shalt  }
tec
execute0_lowered:
.L_overlay_start_1:
0x0: {  	(tag) =	ssettag $0x1  }
0x1: {  	s5 =	rddreg [dreg:$0x0];
	s0 =	srdreg.scid  }
0x2: {  	s2 =	rddreg [dreg:$0x1];
	s1 =	stileid.u32  }
0x3: {  	s3 =	simm.s32 $0x0;
	s11 =	simm.s32 $0x1;
	s12 =	simm.s32 $0x80  }
0x4: {  	s13 =	simm.s32 $0x2;
	s4 =	sand.u32 $0x1, s0;
	s0 =	rddreg [dreg:$0x2]  }
0x5: {  	s7 =	smul.u32 $0x2720, s1;
	[smem:$0x7FF] =	sst s3;
	s6 =	sshll.u32 s4, $0x4  }
0x6: {  	s14 =	sshll.u32 s1, $0x6;
	s8 =	smul.u32 $0x27200, s4;
	s6 =	sor.u32 s1, s6  }
0x7: {  	_ =	strace $0x80000050;
	s4 =	ssub.s32 $0x2, s4;
	s9 =	smul.u32 $0x2800, s6  }
0x8: {  	s14 =	sor.u32 $0x1C03, s14;
	s10 =	sshrl.u32 s4, $0x1;
	s6 =	smul.u32 $0x1400, s6  }
0x9: {  	s8 =	sadd.s32 s7, s8;
	s10 =	ssub.s32 s4, s10;
	s4 =	sadd.s32 s7, s2  }
0xa: {  	s8 =	sshrl.u32 s8, $0x3;
	s15 =	sshrl.u32 s4, $0x3;
	s6 =	sshrl.u32 s6, $0x3  }
0xb: {  	s9 =	sadd.s32 s9, s5;
	s8 =	sadd.s32 s8, s5;
	s5 =	sadd.s32 s5, s6  }
0xc: {  	s6 =	sadd.s32 $0x13800, s9;
	s7 =	sadd.s32 $0x63800, s8;
	s8 =	smax.u32 s10, $0x1  }
0xd: {  	v0 =	vimm.f32 $0.0e+00;
	s9 =	simm.s32 $0x15400;
	s10 =	simm.s32 $0x3;
	s5 =	sadd.s32 $0x9800, s5  }
.LBB2_1:
0xe: {  	s16 =	simm.s32 $0x40;
	s17 =	simm.s32 $0x0  }
.LBB2_2:
0xf: {  	p0 =	sne.s32 s16, $0x9C40;
	[tilespmem:s17+$0x15400] =	vst v0;
	s17 =	smov.u32 s16;
	s16 =	sadd.s32 $0x40, s16  }
.Ltmp0:
0x10: {  	(pc) =	sbr.rel @p0 .LBB2_2-.Ltmp0, $2  }
0x11: {  	_ =	sdelay $0x2  }
0x12: {  	s17 =	sshra.s32 s17, $0x2  }
0x13: {  	[tilespmem:s17+$0x15400] =	vst v0  }
0x14: {  	[spmem:s4] =	stream.linear.scatter [tilespmem:s9], [sflag:$0x3], $0x2720, $0x38;
	[tilespmem:$0x1A240] =	vst v63  }
0x15: {  	_ =	swait.ge [sflag:s10], $0x2720  }
0x16: {  	[sflag:s10] =	ssyncset.done $0x0  }
0x17: {  	s31 =	simm.s32 $0x0;
	[sflag:s10] =	ssyncadd.s32 $0xFFFFD8E0  }
0x18: {  	[tilespmem:s31], [sflag:$0x3] =	stream.linear.gather [hbm4b:s5+s31], $0x1400, $0x38;
	[tilespmem:$0x1A240] =	vst v63  }
0x19: {  	_ =	swait.ge [sflag:s10], $0x1400  }
0x1a: {  	[sflag:s10] =	ssyncset.done $0x0  }
0x1b: {  	s16 =	simm.s32 $0x1400;
	[sflag:s10] =	ssyncadd.s32 $0xFFFFEC00  }
0x1c: {  	[tilespmem:s16], [sflag:$0x1] =	stream.linear.gather [hbm4b:s6+s31], $0x14000, $0x38;
	[tilespmem:$0x1A240] =	vst v63  }
0x1d: {  	_ =	swait.ge [sflag:s11], $0x14000  }
0x1e: {  	[sflag:s11] =	ssyncset.done $0x0  }
0x1f: {  	s17 =	simm.s32 $0x200;
	[sflag:s11] =	ssyncadd.s32 $0xFFFEC000  }
0x20: {  	s19 =	simm.s32 $0x0;
	s18 =	simm.s32 $0x1C00;
	[bflag:$0x0] =	sbarrier.arrive $0xFFFF  }
.LBB2_4:
0x21: {  	[spmem:s2] =	stream.indirect.scatter.add.f32 [tilespmem:s16], [sflag:$0x2], $0x10, s19, s12, $0xb8;
	[tilespmem:$0x1A240] =	vst v63  }
0x22: {  	s19 =	smov.u32 s17;
	s16 =	smov.u32 s18;
	p0 =	sne.s32 s17, $0x4E00  }
.Ltmp1:
0x23: {  	s17 =	sadd.s32 $0x200, s17;
	(pc) =	sbr.rel @p0 .LBB2_4-.Ltmp1, $2  }
0x24: {  	_ =	sdelay $0x2  }
0x25: {  	s18 =	sadd.s32 $0x800, s18;
	s19 =	sshra.s32 s19, $0x2  }
0x26: {  	[spmem:s2] =	stream.indirect.scatter.add.f32 [tilespmem:s16], [sflag:$0x2], $0x10, s19, s12, $0xb8;
	[tilespmem:$0x1A240] =	vst v63  }
0x27: {  	_ =	swait.ge [sflag:s13], $0x14000  }
0x28: {  	s3 =	sadd.s32 $0x1, s3;
	[sflag:s13] =	ssyncset.done $0x0  }
0x29: {  	p0 =	sne.s32 s3, s8;
	[sflag:s13] =	ssyncadd.s32 $0xFFFEC000  }
.Ltmp2:
0x2a: {  	[bflag:$0x0] =	sbarrier.arrive $0xFFFF;
	(pc) =	sbr.rel @p0 .LBB2_1-.Ltmp2, $4  }
0x2b: {  	[hbm:s7], [sflag:s14] =	dma.local [spmem:s15], $0x4E4  }
0x2c: {  	_ =	swait.ge [sflag:s10], $0x4E4  }
0x2d: {  	[sflag:s10] =	ssyncset.done $0x0  }
0x2e: {  	[sflag:s10] =	ssyncadd.s32 $0xFFFFFB1C  }
0x2f: {  	_ =	sfence.sel $0x180000  }
0x30: {  	[bflag:$0x0] =	sbarrier.arrive $0xFFFF  }
0x31: {  	p0 =	sne.s32 s1, $0x0;
	_ =	strace $0x90000050  }
0x32: {  	s0 =	sadd.s32 @!p0 $0x100000, s0;
	[bflag:$0x2] =	sbarrier.arrive $0xFFFF  }
0x33: {  	[sflag:s0] =	ssyncadd.tile.s32 @!p0 $0x1;
	_ =	shalt  }
.Lfunc_end2:
_tile_overlayer_lowered:
.L_overlay_start_2:
0x34: {  	(tag) =	ssettag $0x2  }
0x35: {  	s0 =	rddreg [dreg:$0x0];
	s2 =	stileid.u32  }
0x36: {  	s1 =	rddreg [dreg:$0x1];
	p0 =	sne.s32 s2, $0x0  }
0x37: {  	s3 =	rddreg [dreg:$0x2];
	[bflag:$0x3] =	sbarrier.arrive $0xFFFF;
	s2 =	simm.s32 @!p0 $0x1C03  }
0x38: {  	[timem:s3], [sflag:s2] =	dma.local @!p0 [hbm:s0], s1  }
0x39: {  	s0 =	simm.s32 @!p0 $0x3  }
0x3a: {  	_ =	swait.ge @!p0 [sflag:s0], s1  }
0x3b: {  	s1 =	ssub.s32 @!p0 $0x0, s1;
	[sflag:s0] =	ssyncset.done @!p0 $0x0  }
0x3c: {  	[sflag:s0] =	ssyncadd.s32 @!p0 s1  }
0x3d: {  	[bflag:$0x3] =	sbarrier.arrive $0xFFFF  }
0x3e: {  	_ =	shalt  }

</sc_bundles>
